<compile_context>
chip_gen: v7x
topology: tpu7x:2x2x1
jax: 0.10.2.dev20260603
libtpu: 0.0.44.dev20260713+nightly
codegen_flags: <defaults>
</compile_context>

<pallas_src>
import functools

import jax
import jax.numpy as jnp
from jax import lax
from jax.experimental import pallas as pl
from jax.experimental.pallas import tpu as pltpu
from jax.experimental.pallas import tpu_sc as plsc

_N = 10000
_E = 160000
_IN = 128
_NBR = 16
_OUT = 128
_H = 2
_F = 2 * _IN + _NBR
_HID = int(_F / 1.5)

_NC = 2
_NS = 16
_NW = _NC * _NS

_C = 2
_EC = _E // _C

_GW = 2 * _EC // _NW
_GCH = 128
_GFULL = _GW // _GCH
_GTAIL = _GW - _GFULL * _GCH

_BE = 1600
_GRID = _EC // _BE
_W1W = 896

_SCH = 128
_EWP = 2560
_SNCH = _EWP // _SCH
_AGG = _NW * _EWP
_NACC = 10240
_NPT = _NACC // _NS


@functools.cache
def _sc_mesh():
    return plsc.VectorSubcoreMesh(
        core_axis_name="c", subcore_axis_name="s",
        num_cores=_NC, num_subcores=_NS)


@functools.cache
def _build_gather():
    @functools.partial(
        pl.kernel,
        out_type=jax.ShapeDtypeStruct((2 * _EC, _IN), jnp.float32),
        mesh=_sc_mesh(),
        scratch_types=[
            pltpu.VMEM((_GW,), jnp.int32),
            pltpu.VMEM((_GCH, _IN), jnp.float32),
            pltpu.VMEM((_GCH, _IN), jnp.float32),
            pltpu.SemaphoreType.DMA,
            pltpu.SemaphoreType.DMA,
            pltpu.SemaphoreType.DMA,
            pltpu.SemaphoreType.DMA,
        ],
    )
    def _gather_rows(x_hbm, idx_hbm, out_hbm, idx_v,
                     bufa, bufb, semga, semgb, semwa, semwb):
        wid = lax.axis_index("s") * _NC + lax.axis_index("c")
        base = wid * _GW
        pltpu.sync_copy(idx_hbm.at[pl.ds(base, _GW)], idx_v)

        def g(c, buf, sem, n=_GCH):
            off = pl.multiple_of(c * _GCH, _GCH)
            pltpu.async_copy(x_hbm.at[idx_v.at[pl.ds(off, n)]],
                             buf.at[pl.ds(0, n)], sem)

        def w(c, buf, sem, n=_GCH):
            off = pl.multiple_of(c * _GCH, _GCH)
            pltpu.async_copy(buf.at[pl.ds(0, n)],
                             out_hbm.at[pl.ds(base + off, n)], sem)

        def wait(buf, sem, n=_GCH):
            pltpu.make_async_copy(
                x_hbm.at[pl.ds(0, n)], buf.at[pl.ds(0, n)], sem).wait()

        g(0, bufa, semga)

        def body(k, carry):
            c0 = 2 * k
            wait(bufa, semga)
            w(c0, bufa, semwa)

            @pl.when(k > 0)
            def _():
                wait(bufb, semwb)

            g(c0 + 1, bufb, semgb)
            wait(bufb, semgb)
            w(c0 + 1, bufb, semwb)
            wait(bufa, semwa)
            g(c0 + 2, bufa, semga)
            return carry

        lax.fori_loop(0, (_GFULL - 1) // 2, body, 0)
        wait(bufa, semga)
        w(_GFULL - 1, bufa, semwa)
        wait(bufb, semwb)
        g(_GFULL, bufb, semgb, _GTAIL)
        wait(bufb, semgb, _GTAIL)
        w(_GFULL, bufb, semwb, _GTAIL)
        wait(bufa, semwa)
        wait(bufb, semwb, _GTAIL)

    return _gather_rows


def _mlp_body(xi_ref, ea_ref, xj_ref, w1_ref, b1_ref,
              w2d_ref, b2d_ref, w2m0_ref, w2m1_ref, b2m_ref, out_ref):
    fea = jnp.concatenate(
        [xi_ref[...].astype(jnp.bfloat16),
         xj_ref[...].astype(jnp.bfloat16),
         ea_ref[...].astype(jnp.bfloat16)], axis=1)
    h = jnp.dot(fea, w1_ref[...], preferred_element_type=jnp.float32)
    hb = h.astype(jnp.bfloat16) + b1_ref[...]
    hb = jnp.where(hb >= 0, hb, jnp.bfloat16(0.01) * hb)
    d = jnp.dot(hb, w2d_ref[...], preferred_element_type=jnp.float32)
    d += b2d_ref[...]
    w0 = 1.0 / (1.0 + jnp.exp(-d))
    m0 = jnp.dot(hb[:, 0:256], w2m0_ref[...],
                 preferred_element_type=jnp.float32) + b2m_ref[0:1, :]
    m1 = jnp.dot(hb[:, 256:512], w2m1_ref[...],
                 preferred_element_type=jnp.float32) + b2m_ref[1:2, :]
    out_ref[...] = 0.5 * (m1 + w0 * (m0 - m1))


def _edge_mlp(xij, edge_attr, w1, b1, w2d, b2d, w2m0, w2m1, b2m):
    const = lambda i: (0, 0)
    return pl.pallas_call(
        _mlp_body,
        grid=(_GRID,),
        in_specs=[
            pl.BlockSpec((_BE, _IN), lambda i: (i, 0)),
            pl.BlockSpec((_BE, _NBR), lambda i: (i, 0)),
            pl.BlockSpec((_BE, _IN), lambda i: (i + _GRID, 0)),
            pl.BlockSpec((_F, _W1W), const),
            pl.BlockSpec((1, _W1W), const),
            pl.BlockSpec((_W1W, 1), const),
            pl.BlockSpec((1, 1), const),
            pl.BlockSpec((256, _OUT), const),
            pl.BlockSpec((256, _OUT), const),
            pl.BlockSpec((_H, _OUT), const),
        ],
        out_specs=pl.BlockSpec((_BE, _OUT), lambda i: (i, 0)),
        out_shape=jax.ShapeDtypeStruct((_AGG, _OUT), jnp.float32),
    )(xij, edge_attr, xij, w1, b1, w2d, b2d, w2m0, w2m1, b2m)


@functools.cache
def _build_scatter():
    @functools.partial(
        pl.kernel,
        out_type=jax.ShapeDtypeStruct((_NC, _NACC, _OUT), jnp.float32),
        mesh=_sc_mesh(),
        scratch_types=[
            pltpu.VMEM((_SNCH, _SCH), jnp.int32),
            pltpu.VMEM((_SCH, _OUT), jnp.float32),
            pltpu.VMEM((_SCH, _OUT), jnp.float32),
            pltpu.VMEM_SHARED((_NACC, _OUT), jnp.float32),
            pltpu.SemaphoreType.DMA,
            pltpu.SemaphoreType.DMA,
        ],
    )
    def _scatter_add(aggr_hbm, dstr_hbm, zeros_hbm, out_hbm,
                     idx_v, bufa, bufb, acc, semra, semrb):
        cid = lax.axis_index("c")
        sid = lax.axis_index("s")
        wid = sid * _NC + cid
        pltpu.sync_copy(zeros_hbm, acc.at[pl.ds(sid * _NPT, _NPT)])
        pltpu.sync_copy(dstr_hbm.at[wid], idx_v)
        plsc.subcore_barrier()

        def rd(j, buf, sem):
            off = pl.multiple_of(j * _SCH, _SCH)
            pltpu.async_copy(
                aggr_hbm.at[pl.ds(wid * _EWP + off, _SCH)], buf, sem)

        def wait(buf, sem):
            pltpu.make_async_copy(
                aggr_hbm.at[pl.ds(0, _SCH)], buf, sem).wait()

        rd(0, bufa, semra)

        def body(k, carry):
            j0 = 2 * k
            wait(bufa, semra)
            rd(j0 + 1, bufb, semrb)
            pltpu.sync_copy(bufa, acc.at[idx_v.at[j0]], add=True)
            wait(bufb, semrb)

            @pl.when(k + 1 < _SNCH // 2)
            def _():
                rd(j0 + 2, bufa, semra)

            pltpu.sync_copy(bufb, acc.at[idx_v.at[j0 + 1]], add=True)
            return carry

        lax.fori_loop(0, _SNCH // 2, body, 0)
        plsc.subcore_barrier()
        pltpu.sync_copy(acc.at[pl.ds(sid * _NPT, _NPT)],
                        out_hbm.at[cid, pl.ds(sid * _NPT, _NPT)])

    return _scatter_add


def _add_body(a_ref, b_ref, c_ref, d_ref, o_ref):
    o_ref[...] = (a_ref[0] + b_ref[0]) + (c_ref[0] + d_ref[0])


def _add_partials(pa, pb):
    bn = 2000
    spec0 = pl.BlockSpec((1, bn, _OUT), lambda i: (0, i, 0))
    spec1 = pl.BlockSpec((1, bn, _OUT), lambda i: (1, i, 0))
    return pl.pallas_call(
        _add_body,
        grid=(_N // bn,),
        in_specs=[spec0, spec1, spec0, spec1],
        out_specs=pl.BlockSpec((bn, _OUT), lambda i: (i, 0)),
        out_shape=jax.ShapeDtypeStruct((_N, _OUT), jnp.float32),
    )(pa, pa, pb, pb)


def kernel(x, edge_index, edge_attr, W1a, b1a, W2a, b2a, W1m, b1m, W2m, b2m):
    def chunk(w, b):
        wt = jnp.pad(w.T, ((0, 0), (0, 256 - _HID)))
        bt = jnp.pad(b, (0, 256 - _HID))
        return wt, bt

    m0w, m0b = chunk(W1m[0], b1m[0])
    m1w, m1b = chunk(W1m[1], b1m[1])
    aw = jnp.pad(jnp.concatenate([W1a[0].T, W1a[1].T], axis=1),
                 ((0, 0), (0, _W1W - 512 - 2 * _HID)))
    ab = jnp.pad(jnp.concatenate([b1a[0], b1a[1]]), (0, _W1W - 512 - 2 * _HID))
    w1 = jnp.concatenate([m0w, m1w, aw], axis=1)
    b1 = jnp.concatenate([m0b, m1b, ab])[None, :]
    w1r = jnp.concatenate(
        [w1[:_IN], w1[_IN + _NBR:], w1[_IN:_IN + _NBR]],
        axis=0).astype(jnp.bfloat16)
    b1b = b1.astype(jnp.bfloat16)
    w2a = jnp.zeros((_W1W, _H), jnp.float32)
    w2a = w2a.at[512:512 + _HID, 0].set(W2a[0, 0])
    w2a = w2a.at[512 + _HID:512 + 2 * _HID, 1].set(W2a[1, 0])
    w2d = (w2a[:, 0:1] - w2a[:, 1:2]).astype(jnp.bfloat16)
    b2d = (b2a[0] - b2a[1]).reshape(1, 1)
    w2m0 = jnp.pad(W2m[0].T, ((0, 256 - _HID), (0, 0))).astype(jnp.bfloat16)
    w2m1 = jnp.pad(W2m[1].T, ((0, 256 - _HID), (0, 0))).astype(jnp.bfloat16)

    src = edge_index[0]
    dst = edge_index[1]
    idx = jnp.concatenate(
        [src.reshape(_C, _EC), dst.reshape(_C, _EC)], axis=1)
    dstr = jnp.pad(dst.reshape(_C, _EC), ((0, 0), (0, _AGG - _EC)),
                   constant_values=_N).reshape(_C, _NW, _SNCH, _SCH)
    zeros = jnp.zeros((_NPT, _OUT), jnp.float32)

    gather = _build_gather()
    scatter = _build_scatter()
    parts = []
    for c in range(_C):
        xij = gather(x, idx[c])
        aggr = _edge_mlp(xij, edge_attr[c * _EC:(c + 1) * _EC], w1r, b1b,
                         w2d, b2d, w2m0, w2m1, b2m)
        parts.append(scatter(aggr, dstr[c], zeros))
    return _add_partials(*parts)

# --- scband reference (transcript-rebuilt; emitter-appended) ---
"""Pipeline reference for scband-cgat-net-21706764714724 (READ-ONLY COPY).

The authoritative reference and input builder live on the scoring server;
editing this copy changes nothing except your own understanding.
"""

import jax, jax.numpy as jnp
import numpy as np

N = 10000
E = 160000
IN = 128
NBR = 16
OUT = 128
H = 2
F = 2 * IN + NBR            # 272, concat(x_i, edge_attr, x_j)
HID = int(F / 1.5)          # 181, hidden dim of MultiHeadNetwork


def _mhn(fea, W1, b1, W2, b2):
    # MultiHeadNetwork: grouped 1x1 convs == per-head MLPs on the SAME input
    # fea: [E, F]; W1: [H, HID, F]; b1: [H, HID]; W2: [H, O, HID]; b2: [H, O]
    h = jnp.einsum('ef,hgf->ehg', fea, W1) + b1[None, :, :]
    h = jax.nn.leaky_relu(h, 0.01)
    o = jnp.einsum('ehg,hog->eho', h, W2) + b2[None, :, :]
    return o  # [E, H, O]


def setup_inputs(seed: int = 0) -> dict:
    key = jax.random.key(seed)
    ks = jax.random.split(key, 12)
    x = jax.random.normal(ks[0], (N, IN), dtype=jnp.float32)
    edge_index = jax.random.randint(ks[1], (2, E), 0, N, dtype=jnp.int32)
    edge_attr = jax.random.normal(ks[2], (E, NBR), dtype=jnp.float32)
    s = 0.05
    # MH_A: attention network, scalar attention (vector_attention=False -> out dim 1)
    W1a = jax.random.normal(ks[3], (H, HID, F), dtype=jnp.float32) * s
    b1a = jnp.zeros((H, HID), dtype=jnp.float32)
    W2a = jax.random.normal(ks[4], (H, 1, HID), dtype=jnp.float32) * s
    b2a = jnp.zeros((H, 1), dtype=jnp.float32)
    # MH_M: message network, out dim OUT
    W1m = jax.random.normal(ks[5], (H, HID, F), dtype=jnp.float32) * s
    b1m = jnp.zeros((H, HID), dtype=jnp.float32)
    W2m = jax.random.normal(ks[6], (H, OUT, HID), dtype=jnp.float32) * s
    b2m = jnp.zeros((H, OUT), dtype=jnp.float32)
    return {"x": x, "edge_index": edge_index, "edge_attr": edge_attr,
            "W1a": W1a, "b1a": b1a, "W2a": W2a, "b2a": b2a,
            "W1m": W1m, "b1m": b1m, "W2m": W2m, "b2m": b2m}


def reference(x, edge_index, edge_attr, W1a, b1a, W2a, b2a, W1m, b1m, W2m, b2m):
    src = edge_index[0]
    dst = edge_index[1]
    x_i = jnp.take(x, src, axis=0)          # gather, SparseCore
    x_j = jnp.take(x, dst, axis=0)          # gather, SparseCore
    m_cat = jnp.concatenate([x_i, edge_attr, x_j], axis=-1)   # [E, F]
    alpha = _mhn(m_cat, W1a, b1a, W2a, b2a)                    # [E, H, 1]
    msg = _mhn(m_cat, W1m, b1m, W2m, b2m)                      # [E, H, OUT]
    alpha = jnp.exp(alpha)
    # normalize attention across heads (matches alpha / alpha.sum(dim=1))
    alpha = alpha / alpha.sum(axis=1, keepdims=True)
    aggr = msg * alpha                                          # [E, H, OUT]
    aggr = aggr.mean(axis=1)                                    # [E, OUT]
    # aggr='add': scatter-add messages to destination nodes, SparseCore
    out = jax.ops.segment_sum(aggr, dst, num_segments=N)        # [N, OUT]
    return out

if __name__ == "__main__":
    import jax
    _d = setup_inputs()
    print(jax.jit(kernel)(*tuple(_d.values())))

</pallas_src>

<mosaic_0001>
#map = affine_map<(d0, d1) -> (0, 0)>
#map1 = affine_map<(d0, d1) -> (0, 0, 0)>
module attributes {stable_mosaic.version = 14 : i64} {
  func.func @_scatter_add(%arg0: i32, %arg1: i32, %arg2: memref<81920x128xf32, #tpu.memory_space<hbm>>, %arg3: memref<32x20x128xi32, #tpu.memory_space<hbm>>, %arg4: memref<640x128xf32, #tpu.memory_space<hbm>>, %arg5: memref<2x10240x128xf32, #tpu.memory_space<hbm>>, %arg6: memref<20x128xi32, #tpu.memory_space<vmem>>, %arg7: memref<128x128xf32, #tpu.memory_space<vmem>>, %arg8: memref<128x128xf32, #tpu.memory_space<vmem>>, %arg9: memref<10240x128xf32, #tpu.memory_space<vmem_shared>>, %arg10: memref<!tpu.dma_semaphore, #tpu.memory_space<semaphore_mem>>, %arg11: memref<!tpu.dma_semaphore, #tpu.memory_space<semaphore_mem>>) attributes {dimension_semantics = [#tpu.dimension_semantics<core_parallel>, #tpu.dimension_semantics<subcore_parallel>], iteration_bounds = array<i64: 2, 16>, scalar_prefetch = 0 : i64, scratch_operands = 6 : i64, tpu.core_type = #tpu.core_type<sc_vector_subcore>, window_params = [{transform_indices = #map}, {transform_indices = #map1}, {transform_indices = #map}, {transform_indices = #map1}]} {
    %mul3A = arith.constant 2 : i32
    %mul3A_0 = arith.muli %arg1, %mul3A : i32
    %add3A = arith.addi %mul3A_0, %arg0 : i32
    %mul3A_1 = arith.constant 640 : i32
    %mul3A_2 = arith.muli %arg1, %mul3A_1 : i32
    "tpu.region"() ({
      %run_scoped3A = tpu.sem_alloc : memref<!tpu.dma_semaphore, #tpu.memory_space<semaphore_mem>>
      %dma_start3A_20 = arith.constant 0 : i32
      %dma_start3A_21 = tpu.memref_slice %arg9[%mul3A_2, %dma_start3A_20] : memref<10240x128xf32, #tpu.memory_space<vmem_shared>> -> memref<640x128xf32, #tpu.memory_space<vmem_shared>>
      tpu.enqueue_dma source(%arg4 : memref<640x128xf32, #tpu.memory_space<hbm>>) target(%dma_start3A_21 : memref<640x128xf32, #tpu.memory_space<vmem_shared>>) target_semaphore(%run_scoped3A : memref<!tpu.dma_semaphore, #tpu.memory_space<semaphore_mem>>)
      %dma_wait3A = arith.constant 0 : i32
      %dma_wait3A_22 = tpu.memref_slice %arg9[%mul3A_2, %dma_wait3A] : memref<10240x128xf32, #tpu.memory_space<vmem_shared>> -> memref<640x128xf32, #tpu.memory_space<vmem_shared>>
      tpu.wait_dma2 semaphore(%run_scoped3A : memref<!tpu.dma_semaphore, #tpu.memory_space<semaphore_mem>>) src(%arg4 : memref<640x128xf32, #tpu.memory_space<hbm>>) dst(%dma_wait3A_22 : memref<640x128xf32, #tpu.memory_space<vmem_shared>>)
      tpu.yield
    }) : () -> ()
    "tpu.region"() ({
      %run_scoped3A = tpu.sem_alloc : memref<!tpu.dma_semaphore, #tpu.memory_space<semaphore_mem>>
      %dma_start3A_20 = arith.constant 0 : i32
      %dma_start3A_21 = arith.constant 0 : i32
      %dma_start3A_22 = tpu.memref_slice %arg3[%add3A, %dma_start3A_20, %dma_start3A_21] : memref<32x20x128xi32, #tpu.memory_space<hbm>> -> memref<1x20x128xi32, #tpu.memory_space<hbm>>
      %dma_start3A_23 = tpu.memref_squeeze %dma_start3A_22 : memref<1x20x128xi32, #tpu.memory_space<hbm>> -> memref<20x128xi32, #tpu.memory_space<hbm>>
      %dma_start3A_24 = arith.constant 0 : i32
      %dma_start3A_25 = arith.constant 0 : i32
      %dma_start3A_26 = tpu.memref_slice %arg3[%add3A, %dma_start3A_24, %dma_start3A_25] : memref<32x20x128xi32, #tpu.memory_space<hbm>> -> memref<1x20x128xi32, #tpu.memory_space<hbm>>
      %dma_start3A_27 = tpu.memref_squeeze %dma_start3A_26 : memref<1x20x128xi32, #tpu.memory_space<hbm>> -> memref<20x128xi32, #tpu.memory_space<hbm>>
      tpu.enqueue_dma source(%dma_start3A_27 : memref<20x128xi32, #tpu.memory_space<hbm>>) target(%arg6 : memref<20x128xi32, #tpu.memory_space<vmem>>) target_semaphore(%run_scoped3A : memref<!tpu.dma_semaphore, #tpu.memory_space<semaphore_mem>>)
      %dma_wait3A = arith.constant 0 : i32
      %dma_wait3A_28 = arith.constant 0 : i32
      %dma_wait3A_29 = tpu.memref_slice %arg3[%add3A, %dma_wait3A, %dma_wait3A_28] : memref<32x20x128xi32, #tpu.memory_space<hbm>> -> memref<1x20x128xi32, #tpu.memory_space<hbm>>
      %dma_wait3A_30 = tpu.memref_squeeze %dma_wait3A_29 : memref<1x20x128xi32, #tpu.memory_space<hbm>> -> memref<20x128xi32, #tpu.memory_space<hbm>>
      %dma_wait3A_31 = arith.constant 0 : i32
      %dma_wait3A_32 = arith.constant 0 : i32
      %dma_wait3A_33 = tpu.memref_slice %arg3[%add3A, %dma_wait3A_31, %dma_wait3A_32] : memref<32x20x128xi32, #tpu.memory_space<hbm>> -> memref<1x20x128xi32, #tpu.memory_space<hbm>>
      %dma_wait3A_34 = tpu.memref_squeeze %dma_wait3A_33 : memref<1x20x128xi32, #tpu.memory_space<hbm>> -> memref<20x128xi32, #tpu.memory_space<hbm>>
      tpu.wait_dma2 semaphore(%run_scoped3A : memref<!tpu.dma_semaphore, #tpu.memory_space<semaphore_mem>>) src(%dma_wait3A_34 : memref<20x128xi32, #tpu.memory_space<hbm>>) dst(%arg6 : memref<20x128xi32, #tpu.memory_space<vmem>>)
      tpu.yield
    }) : () -> ()
    %barrier3A = arith.constant 0 : index
    tpu.barrier barrier_id(%barrier3A)
    %multiple_of3A = arith.constant 0 : i32
    %multiple_of3A_3 = tpu.assume_multiple %multiple_of3A, 128 : i32
    %mul3A_4 = arith.constant 2560 : i32
    %mul3A_5 = arith.muli %add3A, %mul3A_4 : i32
    %add3A_6 = arith.addi %mul3A_5, %multiple_of3A_3 : i32
    %dma_start3A = arith.constant 0 : i32
    %dma_start3A_7 = tpu.memref_slice %arg2[%add3A_6, %dma_start3A] : memref<81920x128xf32, #tpu.memory_space<hbm>> -> memref<128x128xf32, #tpu.memory_space<hbm>>
    %dma_start3A_8 = arith.constant 0 : i32
    %dma_start3A_9 = tpu.memref_slice %arg2[%add3A_6, %dma_start3A_8] : memref<81920x128xf32, #tpu.memory_space<hbm>> -> memref<128x128xf32, #tpu.memory_space<hbm>>
    tpu.enqueue_dma source(%dma_start3A_9 : memref<128x128xf32, #tpu.memory_space<hbm>>) target(%arg7 : memref<128x128xf32, #tpu.memory_space<vmem>>) target_semaphore(%arg10 : memref<!tpu.dma_semaphore, #tpu.memory_space<semaphore_mem>>)
    %scan3A = arith.constant 0 : i32
    %scan3A_10 = arith.constant 0 : i32
    %scan3A_11 = arith.constant 10 : i32
    %scan3A_12 = arith.addi %scan3A_10, %scan3A_11 : i32
    %scan3A_13 = arith.constant 1 : i32
    scf.for %scan3A_20 = %scan3A_10 to %scan3A_12 step %scan3A_13  : i32 {
      %mul3A_21 = arith.constant 2 : i32
      %mul3A_22 = arith.muli %mul3A_21, %scan3A_20 : i32
      %dma_wait3A = arith.constant 0 : i32
      %dma_wait3A_23 = arith.constant 0 : i32
      %dma_wait3A_24 = tpu.memref_slice %arg2[%dma_wait3A, %dma_wait3A_23] : memref<81920x128xf32, #tpu.memory_space<hbm>> -> memref<128x128xf32, #tpu.memory_space<hbm>>
      %dma_wait3A_25 = arith.constant 0 : i32
      %dma_wait3A_26 = arith.constant 0 : i32
      %dma_wait3A_27 = tpu.memref_slice %arg2[%dma_wait3A_25, %dma_wait3A_26] : memref<81920x128xf32, #tpu.memory_space<hbm>> -> memref<128x128xf32, #tpu.memory_space<hbm>>
      tpu.wait_dma2 semaphore(%arg10 : memref<!tpu.dma_semaphore, #tpu.memory_space<semaphore_mem>>) src(%dma_wait3A_27 : memref<128x128xf32, #tpu.memory_space<hbm>>) dst(%arg7 : memref<128x128xf32, #tpu.memory_space<vmem>>)
      %add3A_28 = arith.constant 1 : i32
      %add3A_29 = arith.addi %mul3A_22, %add3A_28 : i32
      %mul3A_30 = arith.constant 128 : i32
      %mul3A_31 = arith.muli %add3A_29, %mul3A_30 : i32
      %multiple_of3A_32 = tpu.assume_multiple %mul3A_31, 128 : i32
      %mul3A_33 = arith.constant 2560 : i32
      %mul3A_34 = arith.muli %add3A, %mul3A_33 : i32
      %add3A_35 = arith.addi %mul3A_34, %multiple_of3A_32 : i32
      %dma_start3A_36 = arith.constant 0 : i32
      %dma_start3A_37 = tpu.memref_slice %arg2[%add3A_35, %dma_start3A_36] : memref<81920x128xf32, #tpu.memory_space<hbm>> -> memref<128x128xf32, #tpu.memory_space<hbm>>
      %dma_start3A_38 = arith.constant 0 : i32
      %dma_start3A_39 = tpu.memref_slice %arg2[%add3A_35, %dma_start3A_38] : memref<81920x128xf32, #tpu.memory_space<hbm>> -> memref<128x128xf32, #tpu.memory_space<hbm>>
      tpu.enqueue_dma source(%dma_start3A_39 : memref<128x128xf32, #tpu.memory_space<hbm>>) target(%arg8 : memref<128x128xf32, #tpu.memory_space<vmem>>) target_semaphore(%arg11 : memref<!tpu.dma_semaphore, #tpu.memory_space<semaphore_mem>>)
      "tpu.region"() ({
        %run_scoped3A = tpu.sem_alloc : memref<!tpu.dma_semaphore, #tpu.memory_space<semaphore_mem>>
        %dma_start3A_52 = arith.constant 0 : i32
        %dma_start3A_53 = tpu.memref_slice %arg6[%mul3A_22, %dma_start3A_52] : memref<20x128xi32, #tpu.memory_space<vmem>> -> memref<1x128xi32, #tpu.memory_space<vmem>>
        %dma_start3A_54 = tpu.memref_squeeze %dma_start3A_53 : memref<1x128xi32, #tpu.memory_space<vmem>> -> memref<128xi32, #tpu.memory_space<vmem>>
        %dma_start3A_55 = arith.constant 0 : i32
        %dma_start3A_56 = arith.constant 0 : i32
        %dma_start3A_57 = tpu.memref_slice %arg9[%dma_start3A_55, %dma_start3A_56] : memref<10240x128xf32, #tpu.memory_space<vmem_shared>> -> memref<10240x128xf32, #tpu.memory_space<vmem_shared>>
        tpu.enqueue_indirect_dma source(%arg7 : memref<128x128xf32, #tpu.memory_space<vmem>>) target(%dma_start3A_57 : memref<10240x128xf32, #tpu.memory_space<vmem_shared>>) offsets(%dma_start3A_54 : memref<128xi32, #tpu.memory_space<vmem>>) semaphore(%run_scoped3A : memref<!tpu.dma_semaphore, #tpu.memory_space<semaphore_mem>>) {add = true}
        %dma_wait3A_58 = arith.constant 0 : i32
        %dma_wait3A_59 = tpu.memref_slice %arg6[%mul3A_22, %dma_wait3A_58] : memref<20x128xi32, #tpu.memory_space<vmem>> -> memref<1x128xi32, #tpu.memory_space<vmem>>
        %dma_wait3A_60 = tpu.memref_squeeze %dma_wait3A_59 : memref<1x128xi32, #tpu.memory_space<vmem>> -> memref<128xi32, #tpu.memory_space<vmem>>
        %dma_wait3A_61 = arith.constant 0 : i32
        %dma_wait3A_62 = arith.constant 0 : i32
        %dma_wait3A_63 = tpu.memref_slice %arg9[%dma_wait3A_61, %dma_wait3A_62] : memref<10240x128xf32, #tpu.memory_space<vmem_shared>> -> memref<10240x128xf32, #tpu.memory_space<vmem_shared>>
        tpu.wait_indirect_dma semaphore(%run_scoped3A : memref<!tpu.dma_semaphore, #tpu.memory_space<semaphore_mem>>) src(%arg7 : memref<128x128xf32, #tpu.memory_space<vmem>>) dst(%dma_wait3A_63 : memref<10240x128xf32, #tpu.memory_space<vmem_shared>>)
        tpu.yield
      }) : () -> ()
      %dma_wait3A_40 = arith.constant 0 : i32
      %dma_wait3A_41 = arith.constant 0 : i32
      %dma_wait3A_42 = tpu.memref_slice %arg2[%dma_wait3A_40, %dma_wait3A_41] : memref<81920x128xf32, #tpu.memory_space<hbm>> -> memref<128x128xf32, #tpu.memory_space<hbm>>
      %dma_wait3A_43 = arith.constant 0 : i32
      %dma_wait3A_44 = arith.constant 0 : i32
      %dma_wait3A_45 = tpu.memref_slice %arg2[%dma_wait3A_43, %dma_wait3A_44] : memref<81920x128xf32, #tpu.memory_space<hbm>> -> memref<128x128xf32, #tpu.memory_space<hbm>>
      tpu.wait_dma2 semaphore(%arg11 : memref<!tpu.dma_semaphore, #tpu.memory_space<semaphore_mem>>) src(%dma_wait3A_45 : memref<128x128xf32, #tpu.memory_space<hbm>>) dst(%arg8 : memref<128x128xf32, #tpu.memory_space<vmem>>)
      %add3A_46 = arith.constant 1 : i32
      %add3A_47 = arith.addi %scan3A_20, %add3A_46 : i32
      %lt3A = arith.constant 10 : i32
      %lt3A_48 = arith.cmpi slt, %add3A_47, %lt3A : i32
      %convert_element_type3A = arith.extui %lt3A_48 : i1 to i32
      %cond3A = arith.constant 0 : i32
      %cond3A_49 = arith.cmpi ne, %convert_element_type3A, %cond3A : i32
      scf.if %cond3A_49 {
        %add3A_52 = arith.constant 2 : i32
        %add3A_53 = arith.addi %mul3A_22, %add3A_52 : i32
        %mul3A_54 = arith.constant 128 : i32
        %mul3A_55 = arith.muli %add3A_53, %mul3A_54 : i32
        %multiple_of3A_56 = tpu.assume_multiple %mul3A_55, 128 : i32
        %mul3A_57 = arith.constant 2560 : i32
        %mul3A_58 = arith.muli %add3A, %mul3A_57 : i32
        %add3A_59 = arith.addi %mul3A_58, %multiple_of3A_56 : i32
        %dma_start3A_60 = arith.constant 0 : i32
        %dma_start3A_61 = tpu.memref_slice %arg2[%add3A_59, %dma_start3A_60] : memref<81920x128xf32, #tpu.memory_space<hbm>> -> memref<128x128xf32, #tpu.memory_space<hbm>>
        %dma_start3A_62 = arith.constant 0 : i32
        %dma_start3A_63 = tpu.memref_slice %arg2[%add3A_59, %dma_start3A_62] : memref<81920x128xf32, #tpu.memory_space<hbm>> -> memref<128x128xf32, #tpu.memory_space<hbm>>
        tpu.enqueue_dma source(%dma_start3A_63 : memref<128x128xf32, #tpu.memory_space<hbm>>) target(%arg7 : memref<128x128xf32, #tpu.memory_space<vmem>>) target_semaphore(%arg10 : memref<!tpu.dma_semaphore, #tpu.memory_space<semaphore_mem>>)
      } else {
      }
      %add3A_50 = arith.constant 1 : i32
      %add3A_51 = arith.addi %mul3A_22, %add3A_50 : i32
      "tpu.region"() ({
        %run_scoped3A = tpu.sem_alloc : memref<!tpu.dma_semaphore, #tpu.memory_space<semaphore_mem>>
        %dma_start3A_52 = arith.constant 0 : i32
        %dma_start3A_53 = tpu.memref_slice %arg6[%add3A_51, %dma_start3A_52] : memref<20x128xi32, #tpu.memory_space<vmem>> -> memref<1x128xi32, #tpu.memory_space<vmem>>
        %dma_start3A_54 = tpu.memref_squeeze %dma_start3A_53 : memref<1x128xi32, #tpu.memory_space<vmem>> -> memref<128xi32, #tpu.memory_space<vmem>>
        %dma_start3A_55 = arith.constant 0 : i32
        %dma_start3A_56 = arith.constant 0 : i32
        %dma_start3A_57 = tpu.memref_slice %arg9[%dma_start3A_55, %dma_start3A_56] : memref<10240x128xf32, #tpu.memory_space<vmem_shared>> -> memref<10240x128xf32, #tpu.memory_space<vmem_shared>>
        tpu.enqueue_indirect_dma source(%arg8 : memref<128x128xf32, #tpu.memory_space<vmem>>) target(%dma_start3A_57 : memref<10240x128xf32, #tpu.memory_space<vmem_shared>>) offsets(%dma_start3A_54 : memref<128xi32, #tpu.memory_space<vmem>>) semaphore(%run_scoped3A : memref<!tpu.dma_semaphore, #tpu.memory_space<semaphore_mem>>) {add = true}
        %dma_wait3A_58 = arith.constant 0 : i32
        %dma_wait3A_59 = tpu.memref_slice %arg6[%add3A_51, %dma_wait3A_58] : memref<20x128xi32, #tpu.memory_space<vmem>> -> memref<1x128xi32, #tpu.memory_space<vmem>>
        %dma_wait3A_60 = tpu.memref_squeeze %dma_wait3A_59 : memref<1x128xi32, #tpu.memory_space<vmem>> -> memref<128xi32, #tpu.memory_space<vmem>>
        %dma_wait3A_61 = arith.constant 0 : i32
        %dma_wait3A_62 = arith.constant 0 : i32
        %dma_wait3A_63 = tpu.memref_slice %arg9[%dma_wait3A_61, %dma_wait3A_62] : memref<10240x128xf32, #tpu.memory_space<vmem_shared>> -> memref<10240x128xf32, #tpu.memory_space<vmem_shared>>
        tpu.wait_indirect_dma semaphore(%run_scoped3A : memref<!tpu.dma_semaphore, #tpu.memory_space<semaphore_mem>>) src(%arg8 : memref<128x128xf32, #tpu.memory_space<vmem>>) dst(%dma_wait3A_63 : memref<10240x128xf32, #tpu.memory_space<vmem_shared>>)
        tpu.yield
      }) : () -> ()
    }
    %scan3A_14 = arith.constant 10 : i32
    %barrier3A_15 = arith.constant 0 : index
    tpu.barrier barrier_id(%barrier3A_15)
    %mul3A_16 = arith.constant 640 : i32
    %mul3A_17 = arith.muli %arg1, %mul3A_16 : i32
    %mul3A_18 = arith.constant 640 : i32
    %mul3A_19 = arith.muli %arg1, %mul3A_18 : i32
    "tpu.region"() ({
      %run_scoped3A = tpu.sem_alloc : memref<!tpu.dma_semaphore, #tpu.memory_space<semaphore_mem>>
      %dma_start3A_20 = arith.constant 0 : i32
      %dma_start3A_21 = tpu.memref_slice %arg5[%arg0, %mul3A_19, %dma_start3A_20] : memref<2x10240x128xf32, #tpu.memory_space<hbm>> -> memref<1x640x128xf32, #tpu.memory_space<hbm>>
      %dma_start3A_22 = tpu.memref_squeeze %dma_start3A_21 : memref<1x640x128xf32, #tpu.memory_space<hbm>> -> memref<640x128xf32, #tpu.memory_space<hbm>>
      %dma_start3A_23 = arith.constant 0 : i32
      %dma_start3A_24 = tpu.memref_slice %arg9[%mul3A_17, %dma_start3A_23] : memref<10240x128xf32, #tpu.memory_space<vmem_shared>> -> memref<640x128xf32, #tpu.memory_space<vmem_shared>>
      tpu.enqueue_dma source(%dma_start3A_24 : memref<640x128xf32, #tpu.memory_space<vmem_shared>>) target(%dma_start3A_22 : memref<640x128xf32, #tpu.memory_space<hbm>>) target_semaphore(%run_scoped3A : memref<!tpu.dma_semaphore, #tpu.memory_space<semaphore_mem>>)
      %dma_wait3A = arith.constant 0 : i32
      %dma_wait3A_25 = tpu.memref_slice %arg5[%arg0, %mul3A_19, %dma_wait3A] : memref<2x10240x128xf32, #tpu.memory_space<hbm>> -> memref<1x640x128xf32, #tpu.memory_space<hbm>>
      %dma_wait3A_26 = tpu.memref_squeeze %dma_wait3A_25 : memref<1x640x128xf32, #tpu.memory_space<hbm>> -> memref<640x128xf32, #tpu.memory_space<hbm>>
      %dma_wait3A_27 = arith.constant 0 : i32
      %dma_wait3A_28 = tpu.memref_slice %arg9[%mul3A_17, %dma_wait3A_27] : memref<10240x128xf32, #tpu.memory_space<vmem_shared>> -> memref<640x128xf32, #tpu.memory_space<vmem_shared>>
      tpu.wait_dma2 semaphore(%run_scoped3A : memref<!tpu.dma_semaphore, #tpu.memory_space<semaphore_mem>>) src(%dma_wait3A_28 : memref<640x128xf32, #tpu.memory_space<vmem_shared>>) dst(%dma_wait3A_26 : memref<640x128xf32, #tpu.memory_space<hbm>>)
      tpu.yield
    }) : () -> ()
    return
  }
}

#map = affine_map<(d0, d1) -> (0, 0)>
#map1 = affine_map<(d0, d1) -> (0, 0, 0)>
module attributes {stable_mosaic.version = 14 : i64} {
  func.func @_scatter_add(%arg0: i32, %arg1: i32, %arg2: memref<81920x128xf32, #tpu.memory_space<hbm>>, %arg3: memref<32x20x128xi32, #tpu.memory_space<hbm>>, %arg4: memref<640x128xf32, #tpu.memory_space<hbm>>, %arg5: memref<2x10240x128xf32, #tpu.memory_space<hbm>>, %arg6: memref<20x128xi32, #tpu.memory_space<vmem>>, %arg7: memref<128x128xf32, #tpu.memory_space<vmem>>, %arg8: memref<128x128xf32, #tpu.memory_space<vmem>>, %arg9: memref<10240x128xf32, #tpu.memory_space<vmem_shared>>, %arg10: memref<!tpu.dma_semaphore, #tpu.memory_space<semaphore_mem>>, %arg11: memref<!tpu.dma_semaphore, #tpu.memory_space<semaphore_mem>>) attributes {dimension_semantics = [#tpu.dimension_semantics<core_parallel>, #tpu.dimension_semantics<subcore_parallel>], iteration_bounds = array<i64: 2, 16>, scalar_prefetch = 0 : i64, scratch_operands = 6 : i64, tpu.core_type = #tpu.core_type<sc_vector_subcore>, window_params = [{transform_indices = #map}, {transform_indices = #map1}, {transform_indices = #map}, {transform_indices = #map1}]} {
    %mul3A = arith.constant 2 : i32
    %mul3A_0 = arith.muli %arg1, %mul3A : i32
    %add3A = arith.addi %mul3A_0, %arg0 : i32
    %mul3A_1 = arith.constant 640 : i32
    %mul3A_2 = arith.muli %arg1, %mul3A_1 : i32
    "tpu.region"() ({
      %run_scoped3A = tpu.sem_alloc : memref<!tpu.dma_semaphore, #tpu.memory_space<semaphore_mem>>
      %dma_start3A_20 = arith.constant 0 : i32
      %dma_start3A_21 = tpu.memref_slice %arg9[%mul3A_2, %dma_start3A_20] : memref<10240x128xf32, #tpu.memory_space<vmem_shared>> -> memref<640x128xf32, #tpu.memory_space<vmem_shared>>
      tpu.enqueue_dma source(%arg4 : memref<640x128xf32, #tpu.memory_space<hbm>>) target(%dma_start3A_21 : memref<640x128xf32, #tpu.memory_space<vmem_shared>>) target_semaphore(%run_scoped3A : memref<!tpu.dma_semaphore, #tpu.memory_space<semaphore_mem>>)
      %dma_wait3A = arith.constant 0 : i32
      %dma_wait3A_22 = tpu.memref_slice %arg9[%mul3A_2, %dma_wait3A] : memref<10240x128xf32, #tpu.memory_space<vmem_shared>> -> memref<640x128xf32, #tpu.memory_space<vmem_shared>>
      tpu.wait_dma2 semaphore(%run_scoped3A : memref<!tpu.dma_semaphore, #tpu.memory_space<semaphore_mem>>) src(%arg4 : memref<640x128xf32, #tpu.memory_space<hbm>>) dst(%dma_wait3A_22 : memref<640x128xf32, #tpu.memory_space<vmem_shared>>)
      tpu.yield
    }) : () -> ()
    "tpu.region"() ({
      %run_scoped3A = tpu.sem_alloc : memref<!tpu.dma_semaphore, #tpu.memory_space<semaphore_mem>>
      %dma_start3A_20 = arith.constant 0 : i32
      %dma_start3A_21 = arith.constant 0 : i32
      %dma_start3A_22 = tpu.memref_slice %arg3[%add3A, %dma_start3A_20, %dma_start3A_21] : memref<32x20x128xi32, #tpu.memory_space<hbm>> -> memref<1x20x128xi32, #tpu.memory_space<hbm>>
      %dma_start3A_23 = tpu.memref_squeeze %dma_start3A_22 : memref<1x20x128xi32, #tpu.memory_space<hbm>> -> memref<20x128xi32, #tpu.memory_space<hbm>>
      %dma_start3A_24 = arith.constant 0 : i32
      %dma_start3A_25 = arith.constant 0 : i32
      %dma_start3A_26 = tpu.memref_slice %arg3[%add3A, %dma_start3A_24, %dma_start3A_25] : memref<32x20x128xi32, #tpu.memory_space<hbm>> -> memref<1x20x128xi32, #tpu.memory_space<hbm>>
      %dma_start3A_27 = tpu.memref_squeeze %dma_start3A_26 : memref<1x20x128xi32, #tpu.memory_space<hbm>> -> memref<20x128xi32, #tpu.memory_space<hbm>>
      tpu.enqueue_dma source(%dma_start3A_27 : memref<20x128xi32, #tpu.memory_space<hbm>>) target(%arg6 : memref<20x128xi32, #tpu.memory_space<vmem>>) target_semaphore(%run_scoped3A : memref<!tpu.dma_semaphore, #tpu.memory_space<semaphore_mem>>)
      %dma_wait3A = arith.constant 0 : i32
      %dma_wait3A_28 = arith.constant 0 : i32
      %dma_wait3A_29 = tpu.memref_slice %arg3[%add3A, %dma_wait3A, %dma_wait3A_28] : memref<32x20x128xi32, #tpu.memory_space<hbm>> -> memref<1x20x128xi32, #tpu.memory_space<hbm>>
      %dma_wait3A_30 = tpu.memref_squeeze %dma_wait3A_29 : memref<1x20x128xi32, #tpu.memory_space<hbm>> -> memref<20x128xi32, #tpu.memory_space<hbm>>
      %dma_wait3A_31 = arith.constant 0 : i32
      %dma_wait3A_32 = arith.constant 0 : i32
      %dma_wait3A_33 = tpu.memref_slice %arg3[%add3A, %dma_wait3A_31, %dma_wait3A_32] : memref<32x20x128xi32, #tpu.memory_space<hbm>> -> memref<1x20x128xi32, #tpu.memory_space<hbm>>
      %dma_wait3A_34 = tpu.memref_squeeze %dma_wait3A_33 : memref<1x20x128xi32, #tpu.memory_space<hbm>> -> memref<20x128xi32, #tpu.memory_space<hbm>>
      tpu.wait_dma2 semaphore(%run_scoped3A : memref<!tpu.dma_semaphore, #tpu.memory_space<semaphore_mem>>) src(%dma_wait3A_34 : memref<20x128xi32, #tpu.memory_space<hbm>>) dst(%arg6 : memref<20x128xi32, #tpu.memory_space<vmem>>)
      tpu.yield
    }) : () -> ()
    %barrier3A = arith.constant 0 : index
    tpu.barrier barrier_id(%barrier3A)
    %multiple_of3A = arith.constant 0 : i32
    %multiple_of3A_3 = tpu.assume_multiple %multiple_of3A, 128 : i32
    %mul3A_4 = arith.constant 2560 : i32
    %mul3A_5 = arith.muli %add3A, %mul3A_4 : i32
    %add3A_6 = arith.addi %mul3A_5, %multiple_of3A_3 : i32
    %dma_start3A = arith.constant 0 : i32
    %dma_start3A_7 = tpu.memref_slice %arg2[%add3A_6, %dma_start3A] : memref<81920x128xf32, #tpu.memory_space<hbm>> -> memref<128x128xf32, #tpu.memory_space<hbm>>
    %dma_start3A_8 = arith.constant 0 : i32
    %dma_start3A_9 = tpu.memref_slice %arg2[%add3A_6, %dma_start3A_8] : memref<81920x128xf32, #tpu.memory_space<hbm>> -> memref<128x128xf32, #tpu.memory_space<hbm>>
    tpu.enqueue_dma source(%dma_start3A_9 : memref<128x128xf32, #tpu.memory_space<hbm>>) target(%arg7 : memref<128x128xf32, #tpu.memory_space<vmem>>) target_semaphore(%arg10 : memref<!tpu.dma_semaphore, #tpu.memory_space<semaphore_mem>>)
    %scan3A = arith.constant 0 : i32
    %scan3A_10 = arith.constant 0 : i32
    %scan3A_11 = arith.constant 10 : i32
    %scan3A_12 = arith.addi %scan3A_10, %scan3A_11 : i32
    %scan3A_13 = arith.constant 1 : i32
    scf.for %scan3A_20 = %scan3A_10 to %scan3A_12 step %scan3A_13  : i32 {
      %mul3A_21 = arith.constant 2 : i32
      %mul3A_22 = arith.muli %mul3A_21, %scan3A_20 : i32
      %dma_wait3A = arith.constant 0 : i32
      %dma_wait3A_23 = arith.constant 0 : i32
      %dma_wait3A_24 = tpu.memref_slice %arg2[%dma_wait3A, %dma_wait3A_23] : memref<81920x128xf32, #tpu.memory_space<hbm>> -> memref<128x128xf32, #tpu.memory_space<hbm>>
      %dma_wait3A_25 = arith.constant 0 : i32
      %dma_wait3A_26 = arith.constant 0 : i32
      %dma_wait3A_27 = tpu.memref_slice %arg2[%dma_wait3A_25, %dma_wait3A_26] : memref<81920x128xf32, #tpu.memory_space<hbm>> -> memref<128x128xf32, #tpu.memory_space<hbm>>
      tpu.wait_dma2 semaphore(%arg10 : memref<!tpu.dma_semaphore, #tpu.memory_space<semaphore_mem>>) src(%dma_wait3A_27 : memref<128x128xf32, #tpu.memory_space<hbm>>) dst(%arg7 : memref<128x128xf32, #tpu.memory_space<vmem>>)
      %add3A_28 = arith.constant 1 : i32
      %add3A_29 = arith.addi %mul3A_22, %add3A_28 : i32
      %mul3A_30 = arith.constant 128 : i32
      %mul3A_31 = arith.muli %add3A_29, %mul3A_30 : i32
      %multiple_of3A_32 = tpu.assume_multiple %mul3A_31, 128 : i32
      %mul3A_33 = arith.constant 2560 : i32
      %mul3A_34 = arith.muli %add3A, %mul3A_33 : i32
      %add3A_35 = arith.addi %mul3A_34, %multiple_of3A_32 : i32
      %dma_start3A_36 = arith.constant 0 : i32
      %dma_start3A_37 = tpu.memref_slice %arg2[%add3A_35, %dma_start3A_36] : memref<81920x128xf32, #tpu.memory_space<hbm>> -> memref<128x128xf32, #tpu.memory_space<hbm>>
      %dma_start3A_38 = arith.constant 0 : i32
      %dma_start3A_39 = tpu.memref_slice %arg2[%add3A_35, %dma_start3A_38] : memref<81920x128xf32, #tpu.memory_space<hbm>> -> memref<128x128xf32, #tpu.memory_space<hbm>>
      tpu.enqueue_dma source(%dma_start3A_39 : memref<128x128xf32, #tpu.memory_space<hbm>>) target(%arg8 : memref<128x128xf32, #tpu.memory_space<vmem>>) target_semaphore(%arg11 : memref<!tpu.dma_semaphore, #tpu.memory_space<semaphore_mem>>)
      "tpu.region"() ({
        %run_scoped3A = tpu.sem_alloc : memref<!tpu.dma_semaphore, #tpu.memory_space<semaphore_mem>>
        %dma_start3A_52 = arith.constant 0 : i32
        %dma_start3A_53 = tpu.memref_slice %arg6[%mul3A_22, %dma_start3A_52] : memref<20x128xi32, #tpu.memory_space<vmem>> -> memref<1x128xi32, #tpu.memory_space<vmem>>
        %dma_start3A_54 = tpu.memref_squeeze %dma_start3A_53 : memref<1x128xi32, #tpu.memory_space<vmem>> -> memref<128xi32, #tpu.memory_space<vmem>>
        %dma_start3A_55 = arith.constant 0 : i32
        %dma_start3A_56 = arith.constant 0 : i32
        %dma_start3A_57 = tpu.memref_slice %arg9[%dma_start3A_55, %dma_start3A_56] : memref<10240x128xf32, #tpu.memory_space<vmem_shared>> -> memref<10240x128xf32, #tpu.memory_space<vmem_shared>>
        tpu.enqueue_indirect_dma source(%arg7 : memref<128x128xf32, #tpu.memory_space<vmem>>) target(%dma_start3A_57 : memref<10240x128xf32, #tpu.memory_space<vmem_shared>>) offsets(%dma_start3A_54 : memref<128xi32, #tpu.memory_space<vmem>>) semaphore(%run_scoped3A : memref<!tpu.dma_semaphore, #tpu.memory_space<semaphore_mem>>) {add = true}
        %dma_wait3A_58 = arith.constant 0 : i32
        %dma_wait3A_59 = tpu.memref_slice %arg6[%mul3A_22, %dma_wait3A_58] : memref<20x128xi32, #tpu.memory_space<vmem>> -> memref<1x128xi32, #tpu.memory_space<vmem>>
        %dma_wait3A_60 = tpu.memref_squeeze %dma_wait3A_59 : memref<1x128xi32, #tpu.memory_space<vmem>> -> memref<128xi32, #tpu.memory_space<vmem>>
        %dma_wait3A_61 = arith.constant 0 : i32
        %dma_wait3A_62 = arith.constant 0 : i32
        %dma_wait3A_63 = tpu.memref_slice %arg9[%dma_wait3A_61, %dma_wait3A_62] : memref<10240x128xf32, #tpu.memory_space<vmem_shared>> -> memref<10240x128xf32, #tpu.memory_space<vmem_shared>>
        tpu.wait_indirect_dma semaphore(%run_scoped3A : memref<!tpu.dma_semaphore, #tpu.memory_space<semaphore_mem>>) src(%arg7 : memref<128x128xf32, #tpu.memory_space<vmem>>) dst(%dma_wait3A_63 : memref<10240x128xf32, #tpu.memory_space<vmem_shared>>)
        tpu.yield
      }) : () -> ()
      %dma_wait3A_40 = arith.constant 0 : i32
      %dma_wait3A_41 = arith.constant 0 : i32
      %dma_wait3A_42 = tpu.memref_slice %arg2[%dma_wait3A_40, %dma_wait3A_41] : memref<81920x128xf32, #tpu.memory_space<hbm>> -> memref<128x128xf32, #tpu.memory_space<hbm>>
      %dma_wait3A_43 = arith.constant 0 : i32
      %dma_wait3A_44 = arith.constant 0 : i32
      %dma_wait3A_45 = tpu.memref_slice %arg2[%dma_wait3A_43, %dma_wait3A_44] : memref<81920x128xf32, #tpu.memory_space<hbm>> -> memref<128x128xf32, #tpu.memory_space<hbm>>
      tpu.wait_dma2 semaphore(%arg11 : memref<!tpu.dma_semaphore, #tpu.memory_space<semaphore_mem>>) src(%dma_wait3A_45 : memref<128x128xf32, #tpu.memory_space<hbm>>) dst(%arg8 : memref<128x128xf32, #tpu.memory_space<vmem>>)
      %add3A_46 = arith.constant 1 : i32
      %add3A_47 = arith.addi %scan3A_20, %add3A_46 : i32
      %lt3A = arith.constant 10 : i32
      %lt3A_48 = arith.cmpi slt, %add3A_47, %lt3A : i32
      %convert_element_type3A = arith.extui %lt3A_48 : i1 to i32
      %cond3A = arith.constant 0 : i32
      %cond3A_49 = arith.cmpi ne, %convert_element_type3A, %cond3A : i32
      scf.if %cond3A_49 {
        %add3A_52 = arith.constant 2 : i32
        %add3A_53 = arith.addi %mul3A_22, %add3A_52 : i32
        %mul3A_54 = arith.constant 128 : i32
        %mul3A_55 = arith.muli %add3A_53, %mul3A_54 : i32
        %multiple_of3A_56 = tpu.assume_multiple %mul3A_55, 128 : i32
        %mul3A_57 = arith.constant 2560 : i32
        %mul3A_58 = arith.muli %add3A, %mul3A_57 : i32
        %add3A_59 = arith.addi %mul3A_58, %multiple_of3A_56 : i32
        %dma_start3A_60 = arith.constant 0 : i32
        %dma_start3A_61 = tpu.memref_slice %arg2[%add3A_59, %dma_start3A_60] : memref<81920x128xf32, #tpu.memory_space<hbm>> -> memref<128x128xf32, #tpu.memory_space<hbm>>
        %dma_start3A_62 = arith.constant 0 : i32
        %dma_start3A_63 = tpu.memref_slice %arg2[%add3A_59, %dma_start3A_62] : memref<81920x128xf32, #tpu.memory_space<hbm>> -> memref<128x128xf32, #tpu.memory_space<hbm>>
        tpu.enqueue_dma source(%dma_start3A_63 : memref<128x128xf32, #tpu.memory_space<hbm>>) target(%arg7 : memref<128x128xf32, #tpu.memory_space<vmem>>) target_semaphore(%arg10 : memref<!tpu.dma_semaphore, #tpu.memory_space<semaphore_mem>>)
      } else {
      }
      %add3A_50 = arith.constant 1 : i32
      %add3A_51 = arith.addi %mul3A_22, %add3A_50 : i32
      "tpu.region"() ({
        %run_scoped3A = tpu.sem_alloc : memref<!tpu.dma_semaphore, #tpu.memory_space<semaphore_mem>>
        %dma_start3A_52 = arith.constant 0 : i32
        %dma_start3A_53 = tpu.memref_slice %arg6[%add3A_51, %dma_start3A_52] : memref<20x128xi32, #tpu.memory_space<vmem>> -> memref<1x128xi32, #tpu.memory_space<vmem>>
        %dma_start3A_54 = tpu.memref_squeeze %dma_start3A_53 : memref<1x128xi32, #tpu.memory_space<vmem>> -> memref<128xi32, #tpu.memory_space<vmem>>
        %dma_start3A_55 = arith.constant 0 : i32
        %dma_start3A_56 = arith.constant 0 : i32
        %dma_start3A_57 = tpu.memref_slice %arg9[%dma_start3A_55, %dma_start3A_56] : memref<10240x128xf32, #tpu.memory_space<vmem_shared>> -> memref<10240x128xf32, #tpu.memory_space<vmem_shared>>
        tpu.enqueue_indirect_dma source(%arg8 : memref<128x128xf32, #tpu.memory_space<vmem>>) target(%dma_start3A_57 : memref<10240x128xf32, #tpu.memory_space<vmem_shared>>) offsets(%dma_start3A_54 : memref<128xi32, #tpu.memory_space<vmem>>) semaphore(%run_scoped3A : memref<!tpu.dma_semaphore, #tpu.memory_space<semaphore_mem>>) {add = true}
        %dma_wait3A_58 = arith.constant 0 : i32
        %dma_wait3A_59 = tpu.memref_slice %arg6[%add3A_51, %dma_wait3A_58] : memref<20x128xi32, #tpu.memory_space<vmem>> -> memref<1x128xi32, #tpu.memory_space<vmem>>
        %dma_wait3A_60 = tpu.memref_squeeze %dma_wait3A_59 : memref<1x128xi32, #tpu.memory_space<vmem>> -> memref<128xi32, #tpu.memory_space<vmem>>
        %dma_wait3A_61 = arith.constant 0 : i32
        %dma_wait3A_62 = arith.constant 0 : i32
        %dma_wait3A_63 = tpu.memref_slice %arg9[%dma_wait3A_61, %dma_wait3A_62] : memref<10240x128xf32, #tpu.memory_space<vmem_shared>> -> memref<10240x128xf32, #tpu.memory_space<vmem_shared>>
        tpu.wait_indirect_dma semaphore(%run_scoped3A : memref<!tpu.dma_semaphore, #tpu.memory_space<semaphore_mem>>) src(%arg8 : memref<128x128xf32, #tpu.memory_space<vmem>>) dst(%dma_wait3A_63 : memref<10240x128xf32, #tpu.memory_space<vmem_shared>>)
        tpu.yield
      }) : () -> ()
    }
    %scan3A_14 = arith.constant 10 : i32
    %barrier3A_15 = arith.constant 0 : index
    tpu.barrier barrier_id(%barrier3A_15)
    %mul3A_16 = arith.constant 640 : i32
    %mul3A_17 = arith.muli %arg1, %mul3A_16 : i32
    %mul3A_18 = arith.constant 640 : i32
    %mul3A_19 = arith.muli %arg1, %mul3A_18 : i32
    "tpu.region"() ({
      %run_scoped3A = tpu.sem_alloc : memref<!tpu.dma_semaphore, #tpu.memory_space<semaphore_mem>>
      %dma_start3A_20 = arith.constant 0 : i32
      %dma_start3A_21 = tpu.memref_slice %arg5[%arg0, %mul3A_19, %dma_start3A_20] : memref<2x10240x128xf32, #tpu.memory_space<hbm>> -> memref<1x640x128xf32, #tpu.memory_space<hbm>>
      %dma_start3A_22 = tpu.memref_squeeze %dma_start3A_21 : memref<1x640x128xf32, #tpu.memory_space<hbm>> -> memref<640x128xf32, #tpu.memory_space<hbm>>
      %dma_start3A_23 = arith.constant 0 : i32
      %dma_start3A_24 = tpu.memref_slice %arg9[%mul3A_17, %dma_start3A_23] : memref<10240x128xf32, #tpu.memory_space<vmem_shared>> -> memref<640x128xf32, #tpu.memory_space<vmem_shared>>
      tpu.enqueue_dma source(%dma_start3A_24 : memref<640x128xf32, #tpu.memory_space<vmem_shared>>) target(%dma_start3A_22 : memref<640x128xf32, #tpu.memory_space<hbm>>) target_semaphore(%run_scoped3A : memref<!tpu.dma_semaphore, #tpu.memory_space<semaphore_mem>>)
      %dma_wait3A = arith.constant 0 : i32
      %dma_wait3A_25 = tpu.memref_slice %arg5[%arg0, %mul3A_19, %dma_wait3A] : memref<2x10240x128xf32, #tpu.memory_space<hbm>> -> memref<1x640x128xf32, #tpu.memory_space<hbm>>
      %dma_wait3A_26 = tpu.memref_squeeze %dma_wait3A_25 : memref<1x640x128xf32, #tpu.memory_space<hbm>> -> memref<640x128xf32, #tpu.memory_space<hbm>>
      %dma_wait3A_27 = arith.constant 0 : i32
      %dma_wait3A_28 = tpu.memref_slice %arg9[%mul3A_17, %dma_wait3A_27] : memref<10240x128xf32, #tpu.memory_space<vmem_shared>> -> memref<640x128xf32, #tpu.memory_space<vmem_shared>>
      tpu.wait_dma2 semaphore(%run_scoped3A : memref<!tpu.dma_semaphore, #tpu.memory_space<semaphore_mem>>) src(%dma_wait3A_28 : memref<640x128xf32, #tpu.memory_space<vmem_shared>>) dst(%dma_wait3A_26 : memref<640x128xf32, #tpu.memory_space<hbm>>)
      tpu.yield
    }) : () -> ()
    return
  }
}

#map = affine_map<(d0, d1) -> (0, 0)>
#map1 = affine_map<(d0, d1) -> (0)>
module attributes {stable_mosaic.version = 14 : i64} {
  func.func @_gather_rows(%arg0: i32, %arg1: i32, %arg2: memref<10000x128xf32, #tpu.memory_space<hbm>>, %arg3: memref<160000xi32, #tpu.memory_space<hbm>>, %arg4: memref<160000x128xf32, #tpu.memory_space<hbm>>, %arg5: memref<5000xi32, #tpu.memory_space<vmem>>, %arg6: memref<128x128xf32, #tpu.memory_space<vmem>>, %arg7: memref<128x128xf32, #tpu.memory_space<vmem>>, %arg8: memref<!tpu.dma_semaphore, #tpu.memory_space<semaphore_mem>>, %arg9: memref<!tpu.dma_semaphore, #tpu.memory_space<semaphore_mem>>, %arg10: memref<!tpu.dma_semaphore, #tpu.memory_space<semaphore_mem>>, %arg11: memref<!tpu.dma_semaphore, #tpu.memory_space<semaphore_mem>>) attributes {dimension_semantics = [#tpu.dimension_semantics<core_parallel>, #tpu.dimension_semantics<subcore_parallel>], iteration_bounds = array<i64: 2, 16>, scalar_prefetch = 0 : i64, scratch_operands = 7 : i64, tpu.core_type = #tpu.core_type<sc_vector_subcore>, window_params = [{transform_indices = #map}, {transform_indices = #map1}, {transform_indices = #map}]} {
    %mul3A = arith.constant 2 : i32
    %mul3A_0 = arith.muli %arg1, %mul3A : i32
    %add3A = arith.addi %mul3A_0, %arg0 : i32
    %mul3A_1 = arith.constant 5000 : i32
    %mul3A_2 = arith.muli %add3A, %mul3A_1 : i32
    "tpu.region"() ({
      %run_scoped3A = tpu.sem_alloc : memref<!tpu.dma_semaphore, #tpu.memory_space<semaphore_mem>>
      %dma_start3A_109 = tpu.memref_slice %arg3[%mul3A_2] : memref<160000xi32, #tpu.memory_space<hbm>> -> memref<5000xi32, #tpu.memory_space<hbm>>
      %dma_start3A_110 = tpu.memref_slice %arg3[%mul3A_2] : memref<160000xi32, #tpu.memory_space<hbm>> -> memref<5000xi32, #tpu.memory_space<hbm>>
      tpu.enqueue_dma source(%dma_start3A_110 : memref<5000xi32, #tpu.memory_space<hbm>>) target(%arg5 : memref<5000xi32, #tpu.memory_space<vmem>>) target_semaphore(%run_scoped3A : memref<!tpu.dma_semaphore, #tpu.memory_space<semaphore_mem>>)
      %dma_wait3A_111 = tpu.memref_slice %arg3[%mul3A_2] : memref<160000xi32, #tpu.memory_space<hbm>> -> memref<5000xi32, #tpu.memory_space<hbm>>
      %dma_wait3A_112 = tpu.memref_slice %arg3[%mul3A_2] : memref<160000xi32, #tpu.memory_space<hbm>> -> memref<5000xi32, #tpu.memory_space<hbm>>
      tpu.wait_dma2 semaphore(%run_scoped3A : memref<!tpu.dma_semaphore, #tpu.memory_space<semaphore_mem>>) src(%dma_wait3A_112 : memref<5000xi32, #tpu.memory_space<hbm>>) dst(%arg5 : memref<5000xi32, #tpu.memory_space<vmem>>)
      tpu.yield
    }) : () -> ()
    %multiple_of3A = arith.constant 0 : i32
    %multiple_of3A_3 = tpu.assume_multiple %multiple_of3A, 128 : i32
    %dma_start3A = arith.constant 0 : i32
    %dma_start3A_4 = arith.constant 0 : i32
    %dma_start3A_5 = tpu.memref_slice %arg6[%dma_start3A, %dma_start3A_4] : memref<128x128xf32, #tpu.memory_space<vmem>> -> memref<128x128xf32, #tpu.memory_space<vmem>>
    %dma_start3A_6 = tpu.memref_slice %arg5[%multiple_of3A_3] : memref<5000xi32, #tpu.memory_space<vmem>> -> memref<128xi32, #tpu.memory_space<vmem>>
    %dma_start3A_7 = arith.constant 0 : i32
    %dma_start3A_8 = arith.constant 0 : i32
    %dma_start3A_9 = tpu.memref_slice %arg2[%dma_start3A_7, %dma_start3A_8] : memref<10000x128xf32, #tpu.memory_space<hbm>> -> memref<10000x128xf32, #tpu.memory_space<hbm>>
    tpu.enqueue_indirect_dma source(%dma_start3A_9 : memref<10000x128xf32, #tpu.memory_space<hbm>>) target(%dma_start3A_5 : memref<128x128xf32, #tpu.memory_space<vmem>>) offsets(%dma_start3A_6 : memref<128xi32, #tpu.memory_space<vmem>>) semaphore(%arg8 : memref<!tpu.dma_semaphore, #tpu.memory_space<semaphore_mem>>)
    %scan3A = arith.constant 0 : i32
    %scan3A_10 = arith.constant 0 : i32
    %scan3A_11 = arith.constant 19 : i32
    %scan3A_12 = arith.addi %scan3A_10, %scan3A_11 : i32
    %scan3A_13 = arith.constant 1 : i32
    scf.for %scan3A_109 = %scan3A_10 to %scan3A_12 step %scan3A_13  : i32 {
      %mul3A_110 = arith.constant 2 : i32
      %mul3A_111 = arith.muli %mul3A_110, %scan3A_109 : i32
      %dma_wait3A_112 = arith.constant 0 : i32
      %dma_wait3A_113 = arith.constant 0 : i32
      %dma_wait3A_114 = tpu.memref_slice %arg6[%dma_wait3A_112, %dma_wait3A_113] : memref<128x128xf32, #tpu.memory_space<vmem>> -> memref<128x128xf32, #tpu.memory_space<vmem>>
      %dma_wait3A_115 = arith.constant 0 : i32
      %dma_wait3A_116 = arith.constant 0 : i32
      %dma_wait3A_117 = tpu.memref_slice %arg2[%dma_wait3A_115, %dma_wait3A_116] : memref<10000x128xf32, #tpu.memory_space<hbm>> -> memref<128x128xf32, #tpu.memory_space<hbm>>
      %dma_wait3A_118 = arith.constant 0 : i32
      %dma_wait3A_119 = arith.constant 0 : i32
      %dma_wait3A_120 = tpu.memref_slice %arg6[%dma_wait3A_118, %dma_wait3A_119] : memref<128x128xf32, #tpu.memory_space<vmem>> -> memref<128x128xf32, #tpu.memory_space<vmem>>
      %dma_wait3A_121 = arith.constant 0 : i32
      %dma_wait3A_122 = arith.constant 0 : i32
      %dma_wait3A_123 = tpu.memref_slice %arg2[%dma_wait3A_121, %dma_wait3A_122] : memref<10000x128xf32, #tpu.memory_space<hbm>> -> memref<128x128xf32, #tpu.memory_space<hbm>>
      tpu.wait_dma2 semaphore(%arg8 : memref<!tpu.dma_semaphore, #tpu.memory_space<semaphore_mem>>) src(%dma_wait3A_123 : memref<128x128xf32, #tpu.memory_space<hbm>>) dst(%dma_wait3A_120 : memref<128x128xf32, #tpu.memory_space<vmem>>)
      %mul3A_124 = arith.constant 128 : i32
      %mul3A_125 = arith.muli %mul3A_111, %mul3A_124 : i32
      %multiple_of3A_126 = tpu.assume_multiple %mul3A_125, 128 : i32
      %add3A_127 = arith.addi %mul3A_2, %multiple_of3A_126 : i32
      %dma_start3A_128 = arith.constant 0 : i32
      %dma_start3A_129 = arith.constant 0 : i32
      %dma_start3A_130 = tpu.memref_slice %arg6[%dma_start3A_128, %dma_start3A_129] : memref<128x128xf32, #tpu.memory_space<vmem>> -> memref<128x128xf32, #tpu.memory_space<vmem>>
      %dma_start3A_131 = arith.constant 0 : i32
      %dma_start3A_132 = tpu.memref_slice %arg4[%add3A_127, %dma_start3A_131] : memref<160000x128xf32, #tpu.memory_space<hbm>> -> memref<128x128xf32, #tpu.memory_space<hbm>>
      %dma_start3A_133 = arith.constant 0 : i32
      %dma_start3A_134 = tpu.memref_slice %arg4[%add3A_127, %dma_start3A_133] : memref<160000x128xf32, #tpu.memory_space<hbm>> -> memref<128x128xf32, #tpu.memory_space<hbm>>
      %dma_start3A_135 = arith.constant 0 : i32
      %dma_start3A_136 = arith.constant 0 : i32
      %dma_start3A_137 = tpu.memref_slice %arg6[%dma_start3A_135, %dma_start3A_136] : memref<128x128xf32, #tpu.memory_space<vmem>> -> memref<128x128xf32, #tpu.memory_space<vmem>>
      tpu.enqueue_dma source(%dma_start3A_137 : memref<128x128xf32, #tpu.memory_space<vmem>>) target(%dma_start3A_134 : memref<128x128xf32, #tpu.memory_space<hbm>>) target_semaphore(%arg10 : memref<!tpu.dma_semaphore, #tpu.memory_space<semaphore_mem>>)
      %gt3A = arith.constant 0 : i32
      %gt3A_138 = arith.cmpi sgt, %scan3A_109, %gt3A : i32
      %convert_element_type3A = arith.extui %gt3A_138 : i1 to i32
      %cond3A = arith.constant 0 : i32
      %cond3A_139 = arith.cmpi ne, %convert_element_type3A, %cond3A : i32
      scf.if %cond3A_139 {
        %dma_wait3A_204 = arith.constant 0 : i32
        %dma_wait3A_205 = arith.constant 0 : i32
        %dma_wait3A_206 = tpu.memref_slice %arg7[%dma_wait3A_204, %dma_wait3A_205] : memref<128x128xf32, #tpu.memory_space<vmem>> -> memref<128x128xf32, #tpu.memory_space<vmem>>
        %dma_wait3A_207 = arith.constant 0 : i32
        %dma_wait3A_208 = arith.constant 0 : i32
        %dma_wait3A_209 = tpu.memref_slice %arg2[%dma_wait3A_207, %dma_wait3A_208] : memref<10000x128xf32, #tpu.memory_space<hbm>> -> memref<128x128xf32, #tpu.memory_space<hbm>>
        %dma_wait3A_210 = arith.constant 0 : i32
        %dma_wait3A_211 = arith.constant 0 : i32
        %dma_wait3A_212 = tpu.memref_slice %arg7[%dma_wait3A_210, %dma_wait3A_211] : memref<128x128xf32, #tpu.memory_space<vmem>> -> memref<128x128xf32, #tpu.memory_space<vmem>>
        %dma_wait3A_213 = arith.constant 0 : i32
        %dma_wait3A_214 = arith.constant 0 : i32
        %dma_wait3A_215 = tpu.memref_slice %arg2[%dma_wait3A_213, %dma_wait3A_214] : memref<10000x128xf32, #tpu.memory_space<hbm>> -> memref<128x128xf32, #tpu.memory_space<hbm>>
        tpu.wait_dma2 semaphore(%arg11 : memref<!tpu.dma_semaphore, #tpu.memory_space<semaphore_mem>>) src(%dma_wait3A_215 : memref<128x128xf32, #tpu.memory_space<hbm>>) dst(%dma_wait3A_212 : memref<128x128xf32, #tpu.memory_space<vmem>>)
      } else {
      }
      %add3A_140 = arith.constant 1 : i32
      %add3A_141 = arith.addi %mul3A_111, %add3A_140 : i32
      %mul3A_142 = arith.constant 128 : i32
      %mul3A_143 = arith.muli %add3A_141, %mul3A_142 : i32
      %multiple_of3A_144 = tpu.assume_multiple %mul3A_143, 128 : i32
      %dma_start3A_145 = arith.constant 0 : i32
      %dma_start3A_146 = arith.constant 0 : i32
      %dma_start3A_147 = tpu.memref_slice %arg7[%dma_start3A_145, %dma_start3A_146] : memref<128x128xf32, #tpu.memory_space<vmem>> -> memref<128x128xf32, #tpu.memory_space<vmem>>
      %dma_start3A_148 = tpu.memref_slice %arg5[%multiple_of3A_144] : memref<5000xi32, #tpu.memory_space<vmem>> -> memref<128xi32, #tpu.memory_space<vmem>>
      %dma_start3A_149 = arith.constant 0 : i32
      %dma_start3A_150 = arith.constant 0 : i32
      %dma_start3A_151 = tpu.memref_slice %arg2[%dma_start3A_149, %dma_start3A_150] : memref<10000x128xf32, #tpu.memory_space<hbm>> -> memref<10000x128xf32, #tpu.memory_space<hbm>>
      tpu.enqueue_indirect_dma source(%dma_start3A_151 : memref<10000x128xf32, #tpu.memory_space<hbm>>) target(%dma_start3A_147 : memref<128x128xf32, #tpu.memory_space<vmem>>) offsets(%dma_start3A_148 : memref<128xi32, #tpu.memory_space<vmem>>) semaphore(%arg9 : memref<!tpu.dma_semaphore, #tpu.memory_space<semaphore_mem>>)
      %dma_wait3A_152 = arith.constant 0 : i32
      %dma_wait3A_153 = arith.constant 0 : i32
      %dma_wait3A_154 = tpu.memref_slice %arg7[%dma_wait3A_152, %dma_wait3A_153] : memref<128x128xf32, #tpu.memory_space<vmem>> -> memref<128x128xf32, #tpu.memory_space<vmem>>
      %dma_wait3A_155 = arith.constant 0 : i32
      %dma_wait3A_156 = arith.constant 0 : i32
      %dma_wait3A_157 = tpu.memref_slice %arg2[%dma_wait3A_155, %dma_wait3A_156] : memref<10000x128xf32, #tpu.memory_space<hbm>> -> memref<128x128xf32, #tpu.memory_space<hbm>>
      %dma_wait3A_158 = arith.constant 0 : i32
      %dma_wait3A_159 = arith.constant 0 : i32
      %dma_wait3A_160 = tpu.memref_slice %arg7[%dma_wait3A_158, %dma_wait3A_159] : memref<128x128xf32, #tpu.memory_space<vmem>> -> memref<128x128xf32, #tpu.memory_space<vmem>>
      %dma_wait3A_161 = arith.constant 0 : i32
      %dma_wait3A_162 = arith.constant 0 : i32
      %dma_wait3A_163 = tpu.memref_slice %arg2[%dma_wait3A_161, %dma_wait3A_162] : memref<10000x128xf32, #tpu.memory_space<hbm>> -> memref<128x128xf32, #tpu.memory_space<hbm>>
      tpu.wait_dma2 semaphore(%arg9 : memref<!tpu.dma_semaphore, #tpu.memory_space<semaphore_mem>>) src(%dma_wait3A_163 : memref<128x128xf32, #tpu.memory_space<hbm>>) dst(%dma_wait3A_160 : memref<128x128xf32, #tpu.memory_space<vmem>>)
      %add3A_164 = arith.constant 1 : i32
      %add3A_165 = arith.addi %mul3A_111, %add3A_164 : i32
      %mul3A_166 = arith.constant 128 : i32
      %mul3A_167 = arith.muli %add3A_165, %mul3A_166 : i32
      %multiple_of3A_168 = tpu.assume_multiple %mul3A_167, 128 : i32
      %add3A_169 = arith.addi %mul3A_2, %multiple_of3A_168 : i32
      %dma_start3A_170 = arith.constant 0 : i32
      %dma_start3A_171 = arith.constant 0 : i32
      %dma_start3A_172 = tpu.memref_slice %arg7[%dma_start3A_170, %dma_start3A_171] : memref<128x128xf32, #tpu.memory_space<vmem>> -> memref<128x128xf32, #tpu.memory_space<vmem>>
      %dma_start3A_173 = arith.constant 0 : i32
      %dma_start3A_174 = tpu.memref_slice %arg4[%add3A_169, %dma_start3A_173] : memref<160000x128xf32, #tpu.memory_space<hbm>> -> memref<128x128xf32, #tpu.memory_space<hbm>>
      %dma_start3A_175 = arith.constant 0 : i32
      %dma_start3A_176 = tpu.memref_slice %arg4[%add3A_169, %dma_start3A_175] : memref<160000x128xf32, #tpu.memory_space<hbm>> -> memref<128x128xf32, #tpu.memory_space<hbm>>
      %dma_start3A_177 = arith.constant 0 : i32
      %dma_start3A_178 = arith.constant 0 : i32
      %dma_start3A_179 = tpu.memref_slice %arg7[%dma_start3A_177, %dma_start3A_178] : memref<128x128xf32, #tpu.memory_space<vmem>> -> memref<128x128xf32, #tpu.memory_space<vmem>>
      tpu.enqueue_dma source(%dma_start3A_179 : memref<128x128xf32, #tpu.memory_space<vmem>>) target(%dma_start3A_176 : memref<128x128xf32, #tpu.memory_space<hbm>>) target_semaphore(%arg11 : memref<!tpu.dma_semaphore, #tpu.memory_space<semaphore_mem>>)
      %dma_wait3A_180 = arith.constant 0 : i32
      %dma_wait3A_181 = arith.constant 0 : i32
      %dma_wait3A_182 = tpu.memref_slice %arg6[%dma_wait3A_180, %dma_wait3A_181] : memref<128x128xf32, #tpu.memory_space<vmem>> -> memref<128x128xf32, #tpu.memory_space<vmem>>
      %dma_wait3A_183 = arith.constant 0 : i32
      %dma_wait3A_184 = arith.constant 0 : i32
      %dma_wait3A_185 = tpu.memref_slice %arg2[%dma_wait3A_183, %dma_wait3A_184] : memref<10000x128xf32, #tpu.memory_space<hbm>> -> memref<128x128xf32, #tpu.memory_space<hbm>>
      %dma_wait3A_186 = arith.constant 0 : i32
      %dma_wait3A_187 = arith.constant 0 : i32
      %dma_wait3A_188 = tpu.memref_slice %arg6[%dma_wait3A_186, %dma_wait3A_187] : memref<128x128xf32, #tpu.memory_space<vmem>> -> memref<128x128xf32, #tpu.memory_space<vmem>>
      %dma_wait3A_189 = arith.constant 0 : i32
      %dma_wait3A_190 = arith.constant 0 : i32
      %dma_wait3A_191 = tpu.memref_slice %arg2[%dma_wait3A_189, %dma_wait3A_190] : memref<10000x128xf32, #tpu.memory_space<hbm>> -> memref<128x128xf32, #tpu.memory_space<hbm>>
      tpu.wait_dma2 semaphore(%arg10 : memref<!tpu.dma_semaphore, #tpu.memory_space<semaphore_mem>>) src(%dma_wait3A_191 : memref<128x128xf32, #tpu.memory_space<hbm>>) dst(%dma_wait3A_188 : memref<128x128xf32, #tpu.memory_space<vmem>>)
      %add3A_192 = arith.constant 2 : i32
      %add3A_193 = arith.addi %mul3A_111, %add3A_192 : i32
      %mul3A_194 = arith.constant 128 : i32
      %mul3A_195 = arith.muli %add3A_193, %mul3A_194 : i32
      %multiple_of3A_196 = tpu.assume_multiple %mul3A_195, 128 : i32
      %dma_start3A_197 = arith.constant 0 : i32
      %dma_start3A_198 = arith.constant 0 : i32
      %dma_start3A_199 = tpu.memref_slice %arg6[%dma_start3A_197, %dma_start3A_198] : memref<128x128xf32, #tpu.memory_space<vmem>> -> memref<128x128xf32, #tpu.memory_space<vmem>>
      %dma_start3A_200 = tpu.memref_slice %arg5[%multiple_of3A_196] : memref<5000xi32, #tpu.memory_space<vmem>> -> memref<128xi32, #tpu.memory_space<vmem>>
      %dma_start3A_201 = arith.constant 0 : i32
      %dma_start3A_202 = arith.constant 0 : i32
      %dma_start3A_203 = tpu.memref_slice %arg2[%dma_start3A_201, %dma_start3A_202] : memref<10000x128xf32, #tpu.memory_space<hbm>> -> memref<10000x128xf32, #tpu.memory_space<hbm>>
      tpu.enqueue_indirect_dma source(%dma_start3A_203 : memref<10000x128xf32, #tpu.memory_space<hbm>>) target(%dma_start3A_199 : memref<128x128xf32, #tpu.memory_space<vmem>>) offsets(%dma_start3A_200 : memref<128xi32, #tpu.memory_space<vmem>>) semaphore(%arg8 : memref<!tpu.dma_semaphore, #tpu.memory_space<semaphore_mem>>)
    }
    %scan3A_14 = arith.constant 19 : i32
    %dma_wait3A = arith.constant 0 : i32
    %dma_wait3A_15 = arith.constant 0 : i32
    %dma_wait3A_16 = tpu.memref_slice %arg6[%dma_wait3A, %dma_wait3A_15] : memref<128x128xf32, #tpu.memory_space<vmem>> -> memref<128x128xf32, #tpu.memory_space<vmem>>
    %dma_wait3A_17 = arith.constant 0 : i32
    %dma_wait3A_18 = arith.constant 0 : i32
    %dma_wait3A_19 = tpu.memref_slice %arg2[%dma_wait3A_17, %dma_wait3A_18] : memref<10000x128xf32, #tpu.memory_space<hbm>> -> memref<128x128xf32, #tpu.memory_space<hbm>>
    %dma_wait3A_20 = arith.constant 0 : i32
    %dma_wait3A_21 = arith.constant 0 : i32
    %dma_wait3A_22 = tpu.memref_slice %arg6[%dma_wait3A_20, %dma_wait3A_21] : memref<128x128xf32, #tpu.memory_space<vmem>> -> memref<128x128xf32, #tpu.memory_space<vmem>>
    %dma_wait3A_23 = arith.constant 0 : i32
    %dma_wait3A_24 = arith.constant 0 : i32
    %dma_wait3A_25 = tpu.memref_slice %arg2[%dma_wait3A_23, %dma_wait3A_24] : memref<10000x128xf32, #tpu.memory_space<hbm>> -> memref<128x128xf32, #tpu.memory_space<hbm>>
    tpu.wait_dma2 semaphore(%arg8 : memref<!tpu.dma_semaphore, #tpu.memory_space<semaphore_mem>>) src(%dma_wait3A_25 : memref<128x128xf32, #tpu.memory_space<hbm>>) dst(%dma_wait3A_22 : memref<128x128xf32, #tpu.memory_space<vmem>>)
    %multiple_of3A_26 = arith.constant 4864 : i32
    %multiple_of3A_27 = tpu.assume_multiple %multiple_of3A_26, 128 : i32
    %add3A_28 = arith.addi %mul3A_2, %multiple_of3A_27 : i32
    %dma_start3A_29 = arith.constant 0 : i32
    %dma_start3A_30 = arith.constant 0 : i32
    %dma_start3A_31 = tpu.memref_slice %arg6[%dma_start3A_29, %dma_start3A_30] : memref<128x128xf32, #tpu.memory_space<vmem>> -> memref<128x128xf32, #tpu.memory_space<vmem>>
    %dma_start3A_32 = arith.constant 0 : i32
    %dma_start3A_33 = tpu.memref_slice %arg4[%add3A_28, %dma_start3A_32] : memref<160000x128xf32, #tpu.memory_space<hbm>> -> memref<128x128xf32, #tpu.memory_space<hbm>>
    %dma_start3A_34 = arith.constant 0 : i32
    %dma_start3A_35 = tpu.memref_slice %arg4[%add3A_28, %dma_start3A_34] : memref<160000x128xf32, #tpu.memory_space<hbm>> -> memref<128x128xf32, #tpu.memory_space<hbm>>
    %dma_start3A_36 = arith.constant 0 : i32
    %dma_start3A_37 = arith.constant 0 : i32
    %dma_start3A_38 = tpu.memref_slice %arg6[%dma_start3A_36, %dma_start3A_37] : memref<128x128xf32, #tpu.memory_space<vmem>> -> memref<128x128xf32, #tpu.memory_space<vmem>>
    tpu.enqueue_dma source(%dma_start3A_38 : memref<128x128xf32, #tpu.memory_space<vmem>>) target(%dma_start3A_35 : memref<128x128xf32, #tpu.memory_space<hbm>>) target_semaphore(%arg10 : memref<!tpu.dma_semaphore, #tpu.memory_space<semaphore_mem>>)
    %dma_wait3A_39 = arith.constant 0 : i32
    %dma_wait3A_40 = arith.constant 0 : i32
    %dma_wait3A_41 = tpu.memref_slice %arg7[%dma_wait3A_39, %dma_wait3A_40] : memref<128x128xf32, #tpu.memory_space<vmem>> -> memref<128x128xf32, #tpu.memory_space<vmem>>
    %dma_wait3A_42 = arith.constant 0 : i32
    %dma_wait3A_43 = arith.constant 0 : i32
    %dma_wait3A_44 = tpu.memref_slice %arg2[%dma_wait3A_42, %dma_wait3A_43] : memref<10000x128xf32, #tpu.memory_space<hbm>> -> memref<128x128xf32, #tpu.memory_space<hbm>>
    %dma_wait3A_45 = arith.constant 0 : i32
    %dma_wait3A_46 = arith.constant 0 : i32
    %dma_wait3A_47 = tpu.memref_slice %arg7[%dma_wait3A_45, %dma_wait3A_46] : memref<128x128xf32, #tpu.memory_space<vmem>> -> memref<128x128xf32, #tpu.memory_space<vmem>>
    %dma_wait3A_48 = arith.constant 0 : i32
    %dma_wait3A_49 = arith.constant 0 : i32
    %dma_wait3A_50 = tpu.memref_slice %arg2[%dma_wait3A_48, %dma_wait3A_49] : memref<10000x128xf32, #tpu.memory_space<hbm>> -> memref<128x128xf32, #tpu.memory_space<hbm>>
    tpu.wait_dma2 semaphore(%arg11 : memref<!tpu.dma_semaphore, #tpu.memory_space<semaphore_mem>>) src(%dma_wait3A_50 : memref<128x128xf32, #tpu.memory_space<hbm>>) dst(%dma_wait3A_47 : memref<128x128xf32, #tpu.memory_space<vmem>>)
    %multiple_of3A_51 = arith.constant 4992 : i32
    %multiple_of3A_52 = tpu.assume_multiple %multiple_of3A_51, 128 : i32
    %dma_start3A_53 = arith.constant 0 : i32
    %dma_start3A_54 = arith.constant 0 : i32
    %dma_start3A_55 = tpu.memref_slice %arg7[%dma_start3A_53, %dma_start3A_54] : memref<128x128xf32, #tpu.memory_space<vmem>> -> memref<8x128xf32, #tpu.memory_space<vmem>>
    %dma_start3A_56 = tpu.memref_slice %arg5[%multiple_of3A_52] : memref<5000xi32, #tpu.memory_space<vmem>> -> memref<8xi32, #tpu.memory_space<vmem>>
    %dma_start3A_57 = arith.constant 0 : i32
    %dma_start3A_58 = arith.constant 0 : i32
    %dma_start3A_59 = tpu.memref_slice %arg2[%dma_start3A_57, %dma_start3A_58] : memref<10000x128xf32, #tpu.memory_space<hbm>> -> memref<10000x128xf32, #tpu.memory_space<hbm>>
    tpu.enqueue_indirect_dma source(%dma_start3A_59 : memref<10000x128xf32, #tpu.memory_space<hbm>>) target(%dma_start3A_55 : memref<8x128xf32, #tpu.memory_space<vmem>>) offsets(%dma_start3A_56 : memref<8xi32, #tpu.memory_space<vmem>>) semaphore(%arg9 : memref<!tpu.dma_semaphore, #tpu.memory_space<semaphore_mem>>)
    %dma_wait3A_60 = arith.constant 0 : i32
    %dma_wait3A_61 = arith.constant 0 : i32
    %dma_wait3A_62 = tpu.memref_slice %arg7[%dma_wait3A_60, %dma_wait3A_61] : memref<128x128xf32, #tpu.memory_space<vmem>> -> memref<8x128xf32, #tpu.memory_space<vmem>>
    %dma_wait3A_63 = arith.constant 0 : i32
    %dma_wait3A_64 = arith.constant 0 : i32
    %dma_wait3A_65 = tpu.memref_slice %arg2[%dma_wait3A_63, %dma_wait3A_64] : memref<10000x128xf32, #tpu.memory_space<hbm>> -> memref<8x128xf32, #tpu.memory_space<hbm>>
    %dma_wait3A_66 = arith.constant 0 : i32
    %dma_wait3A_67 = arith.constant 0 : i32
    %dma_wait3A_68 = tpu.memref_slice %arg7[%dma_wait3A_66, %dma_wait3A_67] : memref<128x128xf32, #tpu.memory_space<vmem>> -> memref<8x128xf32, #tpu.memory_space<vmem>>
    %dma_wait3A_69 = arith.constant 0 : i32
    %dma_wait3A_70 = arith.constant 0 : i32
    %dma_wait3A_71 = tpu.memref_slice %arg2[%dma_wait3A_69, %dma_wait3A_70] : memref<10000x128xf32, #tpu.memory_space<hbm>> -> memref<8x128xf32, #tpu.memory_space<hbm>>
    tpu.wait_dma2 semaphore(%arg9 : memref<!tpu.dma_semaphore, #tpu.memory_space<semaphore_mem>>) src(%dma_wait3A_71 : memref<8x128xf32, #tpu.memory_space<hbm>>) dst(%dma_wait3A_68 : memref<8x128xf32, #tpu.memory_space<vmem>>)
    %multiple_of3A_72 = arith.constant 4992 : i32
    %multiple_of3A_73 = tpu.assume_multiple %multiple_of3A_72, 128 : i32
    %add3A_74 = arith.addi %mul3A_2, %multiple_of3A_73 : i32
    %dma_start3A_75 = arith.constant 0 : i32
    %dma_start3A_76 = arith.constant 0 : i32
    %dma_start3A_77 = tpu.memref_slice %arg7[%dma_start3A_75, %dma_start3A_76] : memref<128x128xf32, #tpu.memory_space<vmem>> -> memref<8x128xf32, #tpu.memory_space<vmem>>
    %dma_start3A_78 = arith.constant 0 : i32
    %dma_start3A_79 = tpu.memref_slice %arg4[%add3A_74, %dma_start3A_78] : memref<160000x128xf32, #tpu.memory_space<hbm>> -> memref<8x128xf32, #tpu.memory_space<hbm>>
    %dma_start3A_80 = arith.constant 0 : i32
    %dma_start3A_81 = tpu.memref_slice %arg4[%add3A_74, %dma_start3A_80] : memref<160000x128xf32, #tpu.memory_space<hbm>> -> memref<8x128xf32, #tpu.memory_space<hbm>>
    %dma_start3A_82 = arith.constant 0 : i32
    %dma_start3A_83 = arith.constant 0 : i32
    %dma_start3A_84 = tpu.memref_slice %arg7[%dma_start3A_82, %dma_start3A_83] : memref<128x128xf32, #tpu.memory_space<vmem>> -> memref<8x128xf32, #tpu.memory_space<vmem>>
    tpu.enqueue_dma source(%dma_start3A_84 : memref<8x128xf32, #tpu.memory_space<vmem>>) target(%dma_start3A_81 : memref<8x128xf32, #tpu.memory_space<hbm>>) target_semaphore(%arg11 : memref<!tpu.dma_semaphore, #tpu.memory_space<semaphore_mem>>)
    %dma_wait3A_85 = arith.constant 0 : i32
    %dma_wait3A_86 = arith.constant 0 : i32
    %dma_wait3A_87 = tpu.memref_slice %arg6[%dma_wait3A_85, %dma_wait3A_86] : memref<128x128xf32, #tpu.memory_space<vmem>> -> memref<128x128xf32, #tpu.memory_space<vmem>>
    %dma_wait3A_88 = arith.constant 0 : i32
    %dma_wait3A_89 = arith.constant 0 : i32
    %dma_wait3A_90 = tpu.memref_slice %arg2[%dma_wait3A_88, %dma_wait3A_89] : memref<10000x128xf32, #tpu.memory_space<hbm>> -> memref<128x128xf32, #tpu.memory_space<hbm>>
    %dma_wait3A_91 = arith.constant 0 : i32
    %dma_wait3A_92 = arith.constant 0 : i32
    %dma_wait3A_93 = tpu.memref_slice %arg6[%dma_wait3A_91, %dma_wait3A_92] : memref<128x128xf32, #tpu.memory_space<vmem>> -> memref<128x128xf32, #tpu.memory_space<vmem>>
    %dma_wait3A_94 = arith.constant 0 : i32
    %dma_wait3A_95 = arith.constant 0 : i32
    %dma_wait3A_96 = tpu.memref_slice %arg2[%dma_wait3A_94, %dma_wait3A_95] : memref<10000x128xf32, #tpu.memory_space<hbm>> -> memref<128x128xf32, #tpu.memory_space<hbm>>
    tpu.wait_dma2 semaphore(%arg10 : memref<!tpu.dma_semaphore, #tpu.memory_space<semaphore_mem>>) src(%dma_wait3A_96 : memref<128x128xf32, #tpu.memory_space<hbm>>) dst(%dma_wait3A_93 : memref<128x128xf32, #tpu.memory_space<vmem>>)
    %dma_wait3A_97 = arith.constant 0 : i32
    %dma_wait3A_98 = arith.constant 0 : i32
    %dma_wait3A_99 = tpu.memref_slice %arg7[%dma_wait3A_97, %dma_wait3A_98] : memref<128x128xf32, #tpu.memory_space<vmem>> -> memref<8x128xf32, #tpu.memory_space<vmem>>
    %dma_wait3A_100 = arith.constant 0 : i32
    %dma_wait3A_101 = arith.constant 0 : i32
    %dma_wait3A_102 = tpu.memref_slice %arg2[%dma_wait3A_100, %dma_wait3A_101] : memref<10000x128xf32, #tpu.memory_space<hbm>> -> memref<8x128xf32, #tpu.memory_space<hbm>>
    %dma_wait3A_103 = arith.constant 0 : i32
    %dma_wait3A_104 = arith.constant 0 : i32
    %dma_wait3A_105 = tpu.memref_slice %arg7[%dma_wait3A_103, %dma_wait3A_104] : memref<128x128xf32, #tpu.memory_space<vmem>> -> memref<8x128xf32, #tpu.memory_space<vmem>>
    %dma_wait3A_106 = arith.constant 0 : i32
    %dma_wait3A_107 = arith.constant 0 : i32
    %dma_wait3A_108 = tpu.memref_slice %arg2[%dma_wait3A_106, %dma_wait3A_107] : memref<10000x128xf32, #tpu.memory_space<hbm>> -> memref<8x128xf32, #tpu.memory_space<hbm>>
    tpu.wait_dma2 semaphore(%arg11 : memref<!tpu.dma_semaphore, #tpu.memory_space<semaphore_mem>>) src(%dma_wait3A_108 : memref<8x128xf32, #tpu.memory_space<hbm>>) dst(%dma_wait3A_105 : memref<8x128xf32, #tpu.memory_space<vmem>>)
    return
  }
}

#map = affine_map<(d0, d1) -> (0, 0)>
#map1 = affine_map<(d0, d1) -> (0)>
module attributes {stable_mosaic.version = 14 : i64} {
  func.func @_gather_rows(%arg0: i32, %arg1: i32, %arg2: memref<10000x128xf32, #tpu.memory_space<hbm>>, %arg3: memref<160000xi32, #tpu.memory_space<hbm>>, %arg4: memref<160000x128xf32, #tpu.memory_space<hbm>>, %arg5: memref<5000xi32, #tpu.memory_space<vmem>>, %arg6: memref<128x128xf32, #tpu.memory_space<vmem>>, %arg7: memref<128x128xf32, #tpu.memory_space<vmem>>, %arg8: memref<!tpu.dma_semaphore, #tpu.memory_space<semaphore_mem>>, %arg9: memref<!tpu.dma_semaphore, #tpu.memory_space<semaphore_mem>>, %arg10: memref<!tpu.dma_semaphore, #tpu.memory_space<semaphore_mem>>, %arg11: memref<!tpu.dma_semaphore, #tpu.memory_space<semaphore_mem>>) attributes {dimension_semantics = [#tpu.dimension_semantics<core_parallel>, #tpu.dimension_semantics<subcore_parallel>], iteration_bounds = array<i64: 2, 16>, scalar_prefetch = 0 : i64, scratch_operands = 7 : i64, tpu.core_type = #tpu.core_type<sc_vector_subcore>, window_params = [{transform_indices = #map}, {transform_indices = #map1}, {transform_indices = #map}]} {
    %mul3A = arith.constant 2 : i32
    %mul3A_0 = arith.muli %arg1, %mul3A : i32
    %add3A = arith.addi %mul3A_0, %arg0 : i32
    %mul3A_1 = arith.constant 5000 : i32
    %mul3A_2 = arith.muli %add3A, %mul3A_1 : i32
    "tpu.region"() ({
      %run_scoped3A = tpu.sem_alloc : memref<!tpu.dma_semaphore, #tpu.memory_space<semaphore_mem>>
      %dma_start3A_109 = tpu.memref_slice %arg3[%mul3A_2] : memref<160000xi32, #tpu.memory_space<hbm>> -> memref<5000xi32, #tpu.memory_space<hbm>>
      %dma_start3A_110 = tpu.memref_slice %arg3[%mul3A_2] : memref<160000xi32, #tpu.memory_space<hbm>> -> memref<5000xi32, #tpu.memory_space<hbm>>
      tpu.enqueue_dma source(%dma_start3A_110 : memref<5000xi32, #tpu.memory_space<hbm>>) target(%arg5 : memref<5000xi32, #tpu.memory_space<vmem>>) target_semaphore(%run_scoped3A : memref<!tpu.dma_semaphore, #tpu.memory_space<semaphore_mem>>)
      %dma_wait3A_111 = tpu.memref_slice %arg3[%mul3A_2] : memref<160000xi32, #tpu.memory_space<hbm>> -> memref<5000xi32, #tpu.memory_space<hbm>>
      %dma_wait3A_112 = tpu.memref_slice %arg3[%mul3A_2] : memref<160000xi32, #tpu.memory_space<hbm>> -> memref<5000xi32, #tpu.memory_space<hbm>>
      tpu.wait_dma2 semaphore(%run_scoped3A : memref<!tpu.dma_semaphore, #tpu.memory_space<semaphore_mem>>) src(%dma_wait3A_112 : memref<5000xi32, #tpu.memory_space<hbm>>) dst(%arg5 : memref<5000xi32, #tpu.memory_space<vmem>>)
      tpu.yield
    }) : () -> ()
    %multiple_of3A = arith.constant 0 : i32
    %multiple_of3A_3 = tpu.assume_multiple %multiple_of3A, 128 : i32
    %dma_start3A = arith.constant 0 : i32
    %dma_start3A_4 = arith.constant 0 : i32
    %dma_start3A_5 = tpu.memref_slice %arg6[%dma_start3A, %dma_start3A_4] : memref<128x128xf32, #tpu.memory_space<vmem>> -> memref<128x128xf32, #tpu.memory_space<vmem>>
    %dma_start3A_6 = tpu.memref_slice %arg5[%multiple_of3A_3] : memref<5000xi32, #tpu.memory_space<vmem>> -> memref<128xi32, #tpu.memory_space<vmem>>
    %dma_start3A_7 = arith.constant 0 : i32
    %dma_start3A_8 = arith.constant 0 : i32
    %dma_start3A_9 = tpu.memref_slice %arg2[%dma_start3A_7, %dma_start3A_8] : memref<10000x128xf32, #tpu.memory_space<hbm>> -> memref<10000x128xf32, #tpu.memory_space<hbm>>
    tpu.enqueue_indirect_dma source(%dma_start3A_9 : memref<10000x128xf32, #tpu.memory_space<hbm>>) target(%dma_start3A_5 : memref<128x128xf32, #tpu.memory_space<vmem>>) offsets(%dma_start3A_6 : memref<128xi32, #tpu.memory_space<vmem>>) semaphore(%arg8 : memref<!tpu.dma_semaphore, #tpu.memory_space<semaphore_mem>>)
    %scan3A = arith.constant 0 : i32
    %scan3A_10 = arith.constant 0 : i32
    %scan3A_11 = arith.constant 19 : i32
    %scan3A_12 = arith.addi %scan3A_10, %scan3A_11 : i32
    %scan3A_13 = arith.constant 1 : i32
    scf.for %scan3A_109 = %scan3A_10 to %scan3A_12 step %scan3A_13  : i32 {
      %mul3A_110 = arith.constant 2 : i32
      %mul3A_111 = arith.muli %mul3A_110, %scan3A_109 : i32
      %dma_wait3A_112 = arith.constant 0 : i32
      %dma_wait3A_113 = arith.constant 0 : i32
      %dma_wait3A_114 = tpu.memref_slice %arg6[%dma_wait3A_112, %dma_wait3A_113] : memref<128x128xf32, #tpu.memory_space<vmem>> -> memref<128x128xf32, #tpu.memory_space<vmem>>
      %dma_wait3A_115 = arith.constant 0 : i32
      %dma_wait3A_116 = arith.constant 0 : i32
      %dma_wait3A_117 = tpu.memref_slice %arg2[%dma_wait3A_115, %dma_wait3A_116] : memref<10000x128xf32, #tpu.memory_space<hbm>> -> memref<128x128xf32, #tpu.memory_space<hbm>>
      %dma_wait3A_118 = arith.constant 0 : i32
      %dma_wait3A_119 = arith.constant 0 : i32
      %dma_wait3A_120 = tpu.memref_slice %arg6[%dma_wait3A_118, %dma_wait3A_119] : memref<128x128xf32, #tpu.memory_space<vmem>> -> memref<128x128xf32, #tpu.memory_space<vmem>>
      %dma_wait3A_121 = arith.constant 0 : i32
      %dma_wait3A_122 = arith.constant 0 : i32
      %dma_wait3A_123 = tpu.memref_slice %arg2[%dma_wait3A_121, %dma_wait3A_122] : memref<10000x128xf32, #tpu.memory_space<hbm>> -> memref<128x128xf32, #tpu.memory_space<hbm>>
      tpu.wait_dma2 semaphore(%arg8 : memref<!tpu.dma_semaphore, #tpu.memory_space<semaphore_mem>>) src(%dma_wait3A_123 : memref<128x128xf32, #tpu.memory_space<hbm>>) dst(%dma_wait3A_120 : memref<128x128xf32, #tpu.memory_space<vmem>>)
      %mul3A_124 = arith.constant 128 : i32
      %mul3A_125 = arith.muli %mul3A_111, %mul3A_124 : i32
      %multiple_of3A_126 = tpu.assume_multiple %mul3A_125, 128 : i32
      %add3A_127 = arith.addi %mul3A_2, %multiple_of3A_126 : i32
      %dma_start3A_128 = arith.constant 0 : i32
      %dma_start3A_129 = arith.constant 0 : i32
      %dma_start3A_130 = tpu.memref_slice %arg6[%dma_start3A_128, %dma_start3A_129] : memref<128x128xf32, #tpu.memory_space<vmem>> -> memref<128x128xf32, #tpu.memory_space<vmem>>
      %dma_start3A_131 = arith.constant 0 : i32
      %dma_start3A_132 = tpu.memref_slice %arg4[%add3A_127, %dma_start3A_131] : memref<160000x128xf32, #tpu.memory_space<hbm>> -> memref<128x128xf32, #tpu.memory_space<hbm>>
      %dma_start3A_133 = arith.constant 0 : i32
      %dma_start3A_134 = tpu.memref_slice %arg4[%add3A_127, %dma_start3A_133] : memref<160000x128xf32, #tpu.memory_space<hbm>> -> memref<128x128xf32, #tpu.memory_space<hbm>>
      %dma_start3A_135 = arith.constant 0 : i32
      %dma_start3A_136 = arith.constant 0 : i32
      %dma_start3A_137 = tpu.memref_slice %arg6[%dma_start3A_135, %dma_start3A_136] : memref<128x128xf32, #tpu.memory_space<vmem>> -> memref<128x128xf32, #tpu.memory_space<vmem>>
      tpu.enqueue_dma source(%dma_start3A_137 : memref<128x128xf32, #tpu.memory_space<vmem>>) target(%dma_start3A_134 : memref<128x128xf32, #tpu.memory_space<hbm>>) target_semaphore(%arg10 : memref<!tpu.dma_semaphore, #tpu.memory_space<semaphore_mem>>)
      %gt3A = arith.constant 0 : i32
      %gt3A_138 = arith.cmpi sgt, %scan3A_109, %gt3A : i32
      %convert_element_type3A = arith.extui %gt3A_138 : i1 to i32
      %cond3A = arith.constant 0 : i32
      %cond3A_139 = arith.cmpi ne, %convert_element_type3A, %cond3A : i32
      scf.if %cond3A_139 {
        %dma_wait3A_204 = arith.constant 0 : i32
        %dma_wait3A_205 = arith.constant 0 : i32
        %dma_wait3A_206 = tpu.memref_slice %arg7[%dma_wait3A_204, %dma_wait3A_205] : memref<128x128xf32, #tpu.memory_space<vmem>> -> memref<128x128xf32, #tpu.memory_space<vmem>>
        %dma_wait3A_207 = arith.constant 0 : i32
        %dma_wait3A_208 = arith.constant 0 : i32
        %dma_wait3A_209 = tpu.memref_slice %arg2[%dma_wait3A_207, %dma_wait3A_208] : memref<10000x128xf32, #tpu.memory_space<hbm>> -> memref<128x128xf32, #tpu.memory_space<hbm>>
        %dma_wait3A_210 = arith.constant 0 : i32
        %dma_wait3A_211 = arith.constant 0 : i32
        %dma_wait3A_212 = tpu.memref_slice %arg7[%dma_wait3A_210, %dma_wait3A_211] : memref<128x128xf32, #tpu.memory_space<vmem>> -> memref<128x128xf32, #tpu.memory_space<vmem>>
        %dma_wait3A_213 = arith.constant 0 : i32
        %dma_wait3A_214 = arith.constant 0 : i32
        %dma_wait3A_215 = tpu.memref_slice %arg2[%dma_wait3A_213, %dma_wait3A_214] : memref<10000x128xf32, #tpu.memory_space<hbm>> -> memref<128x128xf32, #tpu.memory_space<hbm>>
        tpu.wait_dma2 semaphore(%arg11 : memref<!tpu.dma_semaphore, #tpu.memory_space<semaphore_mem>>) src(%dma_wait3A_215 : memref<128x128xf32, #tpu.memory_space<hbm>>) dst(%dma_wait3A_212 : memref<128x128xf32, #tpu.memory_space<vmem>>)
      } else {
      }
      %add3A_140 = arith.constant 1 : i32
      %add3A_141 = arith.addi %mul3A_111, %add3A_140 : i32
      %mul3A_142 = arith.constant 128 : i32
      %mul3A_143 = arith.muli %add3A_141, %mul3A_142 : i32
      %multiple_of3A_144 = tpu.assume_multiple %mul3A_143, 128 : i32
      %dma_start3A_145 = arith.constant 0 : i32
      %dma_start3A_146 = arith.constant 0 : i32
      %dma_start3A_147 = tpu.memref_slice %arg7[%dma_start3A_145, %dma_start3A_146] : memref<128x128xf32, #tpu.memory_space<vmem>> -> memref<128x128xf32, #tpu.memory_space<vmem>>
      %dma_start3A_148 = tpu.memref_slice %arg5[%multiple_of3A_144] : memref<5000xi32, #tpu.memory_space<vmem>> -> memref<128xi32, #tpu.memory_space<vmem>>
      %dma_start3A_149 = arith.constant 0 : i32
      %dma_start3A_150 = arith.constant 0 : i32
      %dma_start3A_151 = tpu.memref_slice %arg2[%dma_start3A_149, %dma_start3A_150] : memref<10000x128xf32, #tpu.memory_space<hbm>> -> memref<10000x128xf32, #tpu.memory_space<hbm>>
      tpu.enqueue_indirect_dma source(%dma_start3A_151 : memref<10000x128xf32, #tpu.memory_space<hbm>>) target(%dma_start3A_147 : memref<128x128xf32, #tpu.memory_space<vmem>>) offsets(%dma_start3A_148 : memref<128xi32, #tpu.memory_space<vmem>>) semaphore(%arg9 : memref<!tpu.dma_semaphore, #tpu.memory_space<semaphore_mem>>)
      %dma_wait3A_152 = arith.constant 0 : i32
      %dma_wait3A_153 = arith.constant 0 : i32
      %dma_wait3A_154 = tpu.memref_slice %arg7[%dma_wait3A_152, %dma_wait3A_153] : memref<128x128xf32, #tpu.memory_space<vmem>> -> memref<128x128xf32, #tpu.memory_space<vmem>>
      %dma_wait3A_155 = arith.constant 0 : i32
      %dma_wait3A_156 = arith.constant 0 : i32
      %dma_wait3A_157 = tpu.memref_slice %arg2[%dma_wait3A_155, %dma_wait3A_156] : memref<10000x128xf32, #tpu.memory_space<hbm>> -> memref<128x128xf32, #tpu.memory_space<hbm>>
      %dma_wait3A_158 = arith.constant 0 : i32
      %dma_wait3A_159 = arith.constant 0 : i32
      %dma_wait3A_160 = tpu.memref_slice %arg7[%dma_wait3A_158, %dma_wait3A_159] : memref<128x128xf32, #tpu.memory_space<vmem>> -> memref<128x128xf32, #tpu.memory_space<vmem>>
      %dma_wait3A_161 = arith.constant 0 : i32
      %dma_wait3A_162 = arith.constant 0 : i32
      %dma_wait3A_163 = tpu.memref_slice %arg2[%dma_wait3A_161, %dma_wait3A_162] : memref<10000x128xf32, #tpu.memory_space<hbm>> -> memref<128x128xf32, #tpu.memory_space<hbm>>
      tpu.wait_dma2 semaphore(%arg9 : memref<!tpu.dma_semaphore, #tpu.memory_space<semaphore_mem>>) src(%dma_wait3A_163 : memref<128x128xf32, #tpu.memory_space<hbm>>) dst(%dma_wait3A_160 : memref<128x128xf32, #tpu.memory_space<vmem>>)
      %add3A_164 = arith.constant 1 : i32
      %add3A_165 = arith.addi %mul3A_111, %add3A_164 : i32
      %mul3A_166 = arith.constant 128 : i32
      %mul3A_167 = arith.muli %add3A_165, %mul3A_166 : i32
      %multiple_of3A_168 = tpu.assume_multiple %mul3A_167, 128 : i32
      %add3A_169 = arith.addi %mul3A_2, %multiple_of3A_168 : i32
      %dma_start3A_170 = arith.constant 0 : i32
      %dma_start3A_171 = arith.constant 0 : i32
      %dma_start3A_172 = tpu.memref_slice %arg7[%dma_start3A_170, %dma_start3A_171] : memref<128x128xf32, #tpu.memory_space<vmem>> -> memref<128x128xf32, #tpu.memory_space<vmem>>
      %dma_start3A_173 = arith.constant 0 : i32
      %dma_start3A_174 = tpu.memref_slice %arg4[%add3A_169, %dma_start3A_173] : memref<160000x128xf32, #tpu.memory_space<hbm>> -> memref<128x128xf32, #tpu.memory_space<hbm>>
      %dma_start3A_175 = arith.constant 0 : i32
      %dma_start3A_176 = tpu.memref_slice %arg4[%add3A_169, %dma_start3A_175] : memref<160000x128xf32, #tpu.memory_space<hbm>> -> memref<128x128xf32, #tpu.memory_space<hbm>>
      %dma_start3A_177 = arith.constant 0 : i32
      %dma_start3A_178 = arith.constant 0 : i32
      %dma_start3A_179 = tpu.memref_slice %arg7[%dma_start3A_177, %dma_start3A_178] : memref<128x128xf32, #tpu.memory_space<vmem>> -> memref<128x128xf32, #tpu.memory_space<vmem>>
      tpu.enqueue_dma source(%dma_start3A_179 : memref<128x128xf32, #tpu.memory_space<vmem>>) target(%dma_start3A_176 : memref<128x128xf32, #tpu.memory_space<hbm>>) target_semaphore(%arg11 : memref<!tpu.dma_semaphore, #tpu.memory_space<semaphore_mem>>)
      %dma_wait3A_180 = arith.constant 0 : i32
      %dma_wait3A_181 = arith.constant 0 : i32
      %dma_wait3A_182 = tpu.memref_slice %arg6[%dma_wait3A_180, %dma_wait3A_181] : memref<128x128xf32, #tpu.memory_space<vmem>> -> memref<128x128xf32, #tpu.memory_space<vmem>>
      %dma_wait3A_183 = arith.constant 0 : i32
      %dma_wait3A_184 = arith.constant 0 : i32
      %dma_wait3A_185 = tpu.memref_slice %arg2[%dma_wait3A_183, %dma_wait3A_184] : memref<10000x128xf32, #tpu.memory_space<hbm>> -> memref<128x128xf32, #tpu.memory_space<hbm>>
      %dma_wait3A_186 = arith.constant 0 : i32
      %dma_wait3A_187 = arith.constant 0 : i32
      %dma_wait3A_188 = tpu.memref_slice %arg6[%dma_wait3A_186, %dma_wait3A_187] : memref<128x128xf32, #tpu.memory_space<vmem>> -> memref<128x128xf32, #tpu.memory_space<vmem>>
      %dma_wait3A_189 = arith.constant 0 : i32
      %dma_wait3A_190 = arith.constant 0 : i32
      %dma_wait3A_191 = tpu.memref_slice %arg2[%dma_wait3A_189, %dma_wait3A_190] : memref<10000x128xf32, #tpu.memory_space<hbm>> -> memref<128x128xf32, #tpu.memory_space<hbm>>
      tpu.wait_dma2 semaphore(%arg10 : memref<!tpu.dma_semaphore, #tpu.memory_space<semaphore_mem>>) src(%dma_wait3A_191 : memref<128x128xf32, #tpu.memory_space<hbm>>) dst(%dma_wait3A_188 : memref<128x128xf32, #tpu.memory_space<vmem>>)
      %add3A_192 = arith.constant 2 : i32
      %add3A_193 = arith.addi %mul3A_111, %add3A_192 : i32
      %mul3A_194 = arith.constant 128 : i32
      %mul3A_195 = arith.muli %add3A_193, %mul3A_194 : i32
      %multiple_of3A_196 = tpu.assume_multiple %mul3A_195, 128 : i32
      %dma_start3A_197 = arith.constant 0 : i32
      %dma_start3A_198 = arith.constant 0 : i32
      %dma_start3A_199 = tpu.memref_slice %arg6[%dma_start3A_197, %dma_start3A_198] : memref<128x128xf32, #tpu.memory_space<vmem>> -> memref<128x128xf32, #tpu.memory_space<vmem>>
      %dma_start3A_200 = tpu.memref_slice %arg5[%multiple_of3A_196] : memref<5000xi32, #tpu.memory_space<vmem>> -> memref<128xi32, #tpu.memory_space<vmem>>
      %dma_start3A_201 = arith.constant 0 : i32
      %dma_start3A_202 = arith.constant 0 : i32
      %dma_start3A_203 = tpu.memref_slice %arg2[%dma_start3A_201, %dma_start3A_202] : memref<10000x128xf32, #tpu.memory_space<hbm>> -> memref<10000x128xf32, #tpu.memory_space<hbm>>
      tpu.enqueue_indirect_dma source(%dma_start3A_203 : memref<10000x128xf32, #tpu.memory_space<hbm>>) target(%dma_start3A_199 : memref<128x128xf32, #tpu.memory_space<vmem>>) offsets(%dma_start3A_200 : memref<128xi32, #tpu.memory_space<vmem>>) semaphore(%arg8 : memref<!tpu.dma_semaphore, #tpu.memory_space<semaphore_mem>>)
    }
    %scan3A_14 = arith.constant 19 : i32
    %dma_wait3A = arith.constant 0 : i32
    %dma_wait3A_15 = arith.constant 0 : i32
    %dma_wait3A_16 = tpu.memref_slice %arg6[%dma_wait3A, %dma_wait3A_15] : memref<128x128xf32, #tpu.memory_space<vmem>> -> memref<128x128xf32, #tpu.memory_space<vmem>>
    %dma_wait3A_17 = arith.constant 0 : i32
    %dma_wait3A_18 = arith.constant 0 : i32
    %dma_wait3A_19 = tpu.memref_slice %arg2[%dma_wait3A_17, %dma_wait3A_18] : memref<10000x128xf32, #tpu.memory_space<hbm>> -> memref<128x128xf32, #tpu.memory_space<hbm>>
    %dma_wait3A_20 = arith.constant 0 : i32
    %dma_wait3A_21 = arith.constant 0 : i32
    %dma_wait3A_22 = tpu.memref_slice %arg6[%dma_wait3A_20, %dma_wait3A_21] : memref<128x128xf32, #tpu.memory_space<vmem>> -> memref<128x128xf32, #tpu.memory_space<vmem>>
    %dma_wait3A_23 = arith.constant 0 : i32
    %dma_wait3A_24 = arith.constant 0 : i32
    %dma_wait3A_25 = tpu.memref_slice %arg2[%dma_wait3A_23, %dma_wait3A_24] : memref<10000x128xf32, #tpu.memory_space<hbm>> -> memref<128x128xf32, #tpu.memory_space<hbm>>
    tpu.wait_dma2 semaphore(%arg8 : memref<!tpu.dma_semaphore, #tpu.memory_space<semaphore_mem>>) src(%dma_wait3A_25 : memref<128x128xf32, #tpu.memory_space<hbm>>) dst(%dma_wait3A_22 : memref<128x128xf32, #tpu.memory_space<vmem>>)
    %multiple_of3A_26 = arith.constant 4864 : i32
    %multiple_of3A_27 = tpu.assume_multiple %multiple_of3A_26, 128 : i32
    %add3A_28 = arith.addi %mul3A_2, %multiple_of3A_27 : i32
    %dma_start3A_29 = arith.constant 0 : i32
    %dma_start3A_30 = arith.constant 0 : i32
    %dma_start3A_31 = tpu.memref_slice %arg6[%dma_start3A_29, %dma_start3A_30] : memref<128x128xf32, #tpu.memory_space<vmem>> -> memref<128x128xf32, #tpu.memory_space<vmem>>
    %dma_start3A_32 = arith.constant 0 : i32
    %dma_start3A_33 = tpu.memref_slice %arg4[%add3A_28, %dma_start3A_32] : memref<160000x128xf32, #tpu.memory_space<hbm>> -> memref<128x128xf32, #tpu.memory_space<hbm>>
    %dma_start3A_34 = arith.constant 0 : i32
    %dma_start3A_35 = tpu.memref_slice %arg4[%add3A_28, %dma_start3A_34] : memref<160000x128xf32, #tpu.memory_space<hbm>> -> memref<128x128xf32, #tpu.memory_space<hbm>>
    %dma_start3A_36 = arith.constant 0 : i32
    %dma_start3A_37 = arith.constant 0 : i32
    %dma_start3A_38 = tpu.memref_slice %arg6[%dma_start3A_36, %dma_start3A_37] : memref<128x128xf32, #tpu.memory_space<vmem>> -> memref<128x128xf32, #tpu.memory_space<vmem>>
    tpu.enqueue_dma source(%dma_start3A_38 : memref<128x128xf32, #tpu.memory_space<vmem>>) target(%dma_start3A_35 : memref<128x128xf32, #tpu.memory_space<hbm>>) target_semaphore(%arg10 : memref<!tpu.dma_semaphore, #tpu.memory_space<semaphore_mem>>)
    %dma_wait3A_39 = arith.constant 0 : i32
    %dma_wait3A_40 = arith.constant 0 : i32
    %dma_wait3A_41 = tpu.memref_slice %arg7[%dma_wait3A_39, %dma_wait3A_40] : memref<128x128xf32, #tpu.memory_space<vmem>> -> memref<128x128xf32, #tpu.memory_space<vmem>>
    %dma_wait3A_42 = arith.constant 0 : i32
    %dma_wait3A_43 = arith.constant 0 : i32
    %dma_wait3A_44 = tpu.memref_slice %arg2[%dma_wait3A_42, %dma_wait3A_43] : memref<10000x128xf32, #tpu.memory_space<hbm>> -> memref<128x128xf32, #tpu.memory_space<hbm>>
    %dma_wait3A_45 = arith.constant 0 : i32
    %dma_wait3A_46 = arith.constant 0 : i32
    %dma_wait3A_47 = tpu.memref_slice %arg7[%dma_wait3A_45, %dma_wait3A_46] : memref<128x128xf32, #tpu.memory_space<vmem>> -> memref<128x128xf32, #tpu.memory_space<vmem>>
    %dma_wait3A_48 = arith.constant 0 : i32
    %dma_wait3A_49 = arith.constant 0 : i32
    %dma_wait3A_50 = tpu.memref_slice %arg2[%dma_wait3A_48, %dma_wait3A_49] : memref<10000x128xf32, #tpu.memory_space<hbm>> -> memref<128x128xf32, #tpu.memory_space<hbm>>
    tpu.wait_dma2 semaphore(%arg11 : memref<!tpu.dma_semaphore, #tpu.memory_space<semaphore_mem>>) src(%dma_wait3A_50 : memref<128x128xf32, #tpu.memory_space<hbm>>) dst(%dma_wait3A_47 : memref<128x128xf32, #tpu.memory_space<vmem>>)
    %multiple_of3A_51 = arith.constant 4992 : i32
    %multiple_of3A_52 = tpu.assume_multiple %multiple_of3A_51, 128 : i32
    %dma_start3A_53 = arith.constant 0 : i32
    %dma_start3A_54 = arith.constant 0 : i32
    %dma_start3A_55 = tpu.memref_slice %arg7[%dma_start3A_53, %dma_start3A_54] : memref<128x128xf32, #tpu.memory_space<vmem>> -> memref<8x128xf32, #tpu.memory_space<vmem>>
    %dma_start3A_56 = tpu.memref_slice %arg5[%multiple_of3A_52] : memref<5000xi32, #tpu.memory_space<vmem>> -> memref<8xi32, #tpu.memory_space<vmem>>
    %dma_start3A_57 = arith.constant 0 : i32
    %dma_start3A_58 = arith.constant 0 : i32
    %dma_start3A_59 = tpu.memref_slice %arg2[%dma_start3A_57, %dma_start3A_58] : memref<10000x128xf32, #tpu.memory_space<hbm>> -> memref<10000x128xf32, #tpu.memory_space<hbm>>
    tpu.enqueue_indirect_dma source(%dma_start3A_59 : memref<10000x128xf32, #tpu.memory_space<hbm>>) target(%dma_start3A_55 : memref<8x128xf32, #tpu.memory_space<vmem>>) offsets(%dma_start3A_56 : memref<8xi32, #tpu.memory_space<vmem>>) semaphore(%arg9 : memref<!tpu.dma_semaphore, #tpu.memory_space<semaphore_mem>>)
    %dma_wait3A_60 = arith.constant 0 : i32
    %dma_wait3A_61 = arith.constant 0 : i32
    %dma_wait3A_62 = tpu.memref_slice %arg7[%dma_wait3A_60, %dma_wait3A_61] : memref<128x128xf32, #tpu.memory_space<vmem>> -> memref<8x128xf32, #tpu.memory_space<vmem>>
    %dma_wait3A_63 = arith.constant 0 : i32
    %dma_wait3A_64 = arith.constant 0 : i32
    %dma_wait3A_65 = tpu.memref_slice %arg2[%dma_wait3A_63, %dma_wait3A_64] : memref<10000x128xf32, #tpu.memory_space<hbm>> -> memref<8x128xf32, #tpu.memory_space<hbm>>
    %dma_wait3A_66 = arith.constant 0 : i32
    %dma_wait3A_67 = arith.constant 0 : i32
    %dma_wait3A_68 = tpu.memref_slice %arg7[%dma_wait3A_66, %dma_wait3A_67] : memref<128x128xf32, #tpu.memory_space<vmem>> -> memref<8x128xf32, #tpu.memory_space<vmem>>
    %dma_wait3A_69 = arith.constant 0 : i32
    %dma_wait3A_70 = arith.constant 0 : i32
    %dma_wait3A_71 = tpu.memref_slice %arg2[%dma_wait3A_69, %dma_wait3A_70] : memref<10000x128xf32, #tpu.memory_space<hbm>> -> memref<8x128xf32, #tpu.memory_space<hbm>>
    tpu.wait_dma2 semaphore(%arg9 : memref<!tpu.dma_semaphore, #tpu.memory_space<semaphore_mem>>) src(%dma_wait3A_71 : memref<8x128xf32, #tpu.memory_space<hbm>>) dst(%dma_wait3A_68 : memref<8x128xf32, #tpu.memory_space<vmem>>)
    %multiple_of3A_72 = arith.constant 4992 : i32
    %multiple_of3A_73 = tpu.assume_multiple %multiple_of3A_72, 128 : i32
    %add3A_74 = arith.addi %mul3A_2, %multiple_of3A_73 : i32
    %dma_start3A_75 = arith.constant 0 : i32
    %dma_start3A_76 = arith.constant 0 : i32
    %dma_start3A_77 = tpu.memref_slice %arg7[%dma_start3A_75, %dma_start3A_76] : memref<128x128xf32, #tpu.memory_space<vmem>> -> memref<8x128xf32, #tpu.memory_space<vmem>>
    %dma_start3A_78 = arith.constant 0 : i32
    %dma_start3A_79 = tpu.memref_slice %arg4[%add3A_74, %dma_start3A_78] : memref<160000x128xf32, #tpu.memory_space<hbm>> -> memref<8x128xf32, #tpu.memory_space<hbm>>
    %dma_start3A_80 = arith.constant 0 : i32
    %dma_start3A_81 = tpu.memref_slice %arg4[%add3A_74, %dma_start3A_80] : memref<160000x128xf32, #tpu.memory_space<hbm>> -> memref<8x128xf32, #tpu.memory_space<hbm>>
    %dma_start3A_82 = arith.constant 0 : i32
    %dma_start3A_83 = arith.constant 0 : i32
    %dma_start3A_84 = tpu.memref_slice %arg7[%dma_start3A_82, %dma_start3A_83] : memref<128x128xf32, #tpu.memory_space<vmem>> -> memref<8x128xf32, #tpu.memory_space<vmem>>
    tpu.enqueue_dma source(%dma_start3A_84 : memref<8x128xf32, #tpu.memory_space<vmem>>) target(%dma_start3A_81 : memref<8x128xf32, #tpu.memory_space<hbm>>) target_semaphore(%arg11 : memref<!tpu.dma_semaphore, #tpu.memory_space<semaphore_mem>>)
    %dma_wait3A_85 = arith.constant 0 : i32
    %dma_wait3A_86 = arith.constant 0 : i32
    %dma_wait3A_87 = tpu.memref_slice %arg6[%dma_wait3A_85, %dma_wait3A_86] : memref<128x128xf32, #tpu.memory_space<vmem>> -> memref<128x128xf32, #tpu.memory_space<vmem>>
    %dma_wait3A_88 = arith.constant 0 : i32
    %dma_wait3A_89 = arith.constant 0 : i32
    %dma_wait3A_90 = tpu.memref_slice %arg2[%dma_wait3A_88, %dma_wait3A_89] : memref<10000x128xf32, #tpu.memory_space<hbm>> -> memref<128x128xf32, #tpu.memory_space<hbm>>
    %dma_wait3A_91 = arith.constant 0 : i32
    %dma_wait3A_92 = arith.constant 0 : i32
    %dma_wait3A_93 = tpu.memref_slice %arg6[%dma_wait3A_91, %dma_wait3A_92] : memref<128x128xf32, #tpu.memory_space<vmem>> -> memref<128x128xf32, #tpu.memory_space<vmem>>
    %dma_wait3A_94 = arith.constant 0 : i32
    %dma_wait3A_95 = arith.constant 0 : i32
    %dma_wait3A_96 = tpu.memref_slice %arg2[%dma_wait3A_94, %dma_wait3A_95] : memref<10000x128xf32, #tpu.memory_space<hbm>> -> memref<128x128xf32, #tpu.memory_space<hbm>>
    tpu.wait_dma2 semaphore(%arg10 : memref<!tpu.dma_semaphore, #tpu.memory_space<semaphore_mem>>) src(%dma_wait3A_96 : memref<128x128xf32, #tpu.memory_space<hbm>>) dst(%dma_wait3A_93 : memref<128x128xf32, #tpu.memory_space<vmem>>)
    %dma_wait3A_97 = arith.constant 0 : i32
    %dma_wait3A_98 = arith.constant 0 : i32
    %dma_wait3A_99 = tpu.memref_slice %arg7[%dma_wait3A_97, %dma_wait3A_98] : memref<128x128xf32, #tpu.memory_space<vmem>> -> memref<8x128xf32, #tpu.memory_space<vmem>>
    %dma_wait3A_100 = arith.constant 0 : i32
    %dma_wait3A_101 = arith.constant 0 : i32
    %dma_wait3A_102 = tpu.memref_slice %arg2[%dma_wait3A_100, %dma_wait3A_101] : memref<10000x128xf32, #tpu.memory_space<hbm>> -> memref<8x128xf32, #tpu.memory_space<hbm>>
    %dma_wait3A_103 = arith.constant 0 : i32
    %dma_wait3A_104 = arith.constant 0 : i32
    %dma_wait3A_105 = tpu.memref_slice %arg7[%dma_wait3A_103, %dma_wait3A_104] : memref<128x128xf32, #tpu.memory_space<vmem>> -> memref<8x128xf32, #tpu.memory_space<vmem>>
    %dma_wait3A_106 = arith.constant 0 : i32
    %dma_wait3A_107 = arith.constant 0 : i32
    %dma_wait3A_108 = tpu.memref_slice %arg2[%dma_wait3A_106, %dma_wait3A_107] : memref<10000x128xf32, #tpu.memory_space<hbm>> -> memref<8x128xf32, #tpu.memory_space<hbm>>
    tpu.wait_dma2 semaphore(%arg11 : memref<!tpu.dma_semaphore, #tpu.memory_space<semaphore_mem>>) src(%dma_wait3A_108 : memref<8x128xf32, #tpu.memory_space<hbm>>) dst(%dma_wait3A_105 : memref<8x128xf32, #tpu.memory_space<vmem>>)
    return
  }
}

module attributes {stable_mosaic.version = 14 : i64} {
  func.func @_mlp_body(%arg0: i32, %arg1: memref<1600x128xf32, #tpu.memory_space<vmem>>, %arg2: memref<1600x16xf32, #tpu.memory_space<vmem>>, %arg3: memref<1600x128xf32, #tpu.memory_space<vmem>>, %arg4: memref<272x896xbf16, #tpu.memory_space<vmem>>, %arg5: memref<1x896xbf16, #tpu.memory_space<vmem>>, %arg6: memref<896x1xbf16, #tpu.memory_space<vmem>>, %arg7: memref<1x1xf32, #tpu.memory_space<vmem>>, %arg8: memref<256x128xbf16, #tpu.memory_space<vmem>>, %arg9: memref<256x128xbf16, #tpu.memory_space<vmem>>, %arg10: memref<2x128xf32, #tpu.memory_space<vmem>>, %arg11: memref<1600x128xf32, #tpu.memory_space<vmem>>) attributes {dimension_semantics = [#tpu.dimension_semantics<arbitrary>], iteration_bounds = array<i64: 50>, scalar_prefetch = 0 : i64, scratch_operands = 0 : i64, tpu.core_type = #tpu.core_type<tc>, window_params = [{transform_indices = @transform_0, window_bounds = array<i64: 1600, 128>}, {transform_indices = @transform_1, window_bounds = array<i64: 1600, 16>}, {transform_indices = @transform_2, window_bounds = array<i64: 1600, 128>}, {pipeline_mode = #tpu.pipeline_mode<synchronous>, transform_indices = @transform_3, window_bounds = array<i64: 272, 896>}, {pipeline_mode = #tpu.pipeline_mode<synchronous>, transform_indices = @transform_4, window_bounds = array<i64: 1, 896>}, {pipeline_mode = #tpu.pipeline_mode<synchronous>, transform_indices = @transform_5, window_bounds = array<i64: 896, 1>}, {pipeline_mode = #tpu.pipeline_mode<synchronous>, transform_indices = @transform_6, window_bounds = array<i64: 1, 1>}, {pipeline_mode = #tpu.pipeline_mode<synchronous>, transform_indices = @transform_7, window_bounds = array<i64: 256, 128>}, {pipeline_mode = #tpu.pipeline_mode<synchronous>, transform_indices = @transform_8, window_bounds = array<i64: 256, 128>}, {pipeline_mode = #tpu.pipeline_mode<synchronous>, transform_indices = @transform_9, window_bounds = array<i64: 2, 128>}, {transform_indices = @transform_10, window_bounds = array<i64: 1600, 128>}]} {
    %get3A = arith.constant 0 : index
    %get3A_0 = arith.constant 0 : index
    %get3A_1 = vector.load %arg1[%get3A, %get3A_0] : memref<1600x128xf32, #tpu.memory_space<vmem>>, vector<1600x128xf32>
    %convert_element_type3A = arith.truncf %get3A_1 : vector<1600x128xf32> to vector<1600x128xbf16>
    %get3A_2 = arith.constant 0 : index
    %get3A_3 = arith.constant 0 : index
    %get3A_4 = vector.load %arg3[%get3A_2, %get3A_3] : memref<1600x128xf32, #tpu.memory_space<vmem>>, vector<1600x128xf32>
    %convert_element_type3A_5 = arith.truncf %get3A_4 : vector<1600x128xf32> to vector<1600x128xbf16>
    %get3A_6 = arith.constant 0 : index
    %get3A_7 = arith.constant 0 : index
    %get3A_8 = vector.load %arg2[%get3A_6, %get3A_7] : memref<1600x16xf32, #tpu.memory_space<vmem>>, vector<1600x16xf32>
    %convert_element_type3A_9 = arith.truncf %get3A_8 : vector<1600x16xf32> to vector<1600x16xbf16>
    %concatenate3A = tpu.concatenate %convert_element_type3A, %convert_element_type3A_5, %convert_element_type3A_9 in 1 : vector<1600x128xbf16>, vector<1600x128xbf16>, vector<1600x16xbf16> -> vector<1600x272xbf16>
    %get3A_10 = arith.constant 0 : index
    %get3A_11 = arith.constant 0 : index
    %get3A_12 = vector.load %arg4[%get3A_10, %get3A_11] : memref<272x896xbf16, #tpu.memory_space<vmem>>, vector<272x896xbf16>
    %dot_general3A = arith.constant dense<0.000000e+00> : vector<1600x896xf32>
    %dot_general3A_13 = tpu.matmul %concatenate3A, %get3A_12, %dot_general3A {dimension_numbers = #tpu.dot_dimension_numbers<[1], [0], [0], [1], [0, 0, 1, 1], [], []>, transpose_lhs_hint = false} : vector<1600x272xbf16>, vector<272x896xbf16>, vector<1600x896xf32> -> vector<1600x896xf32>
    %convert_element_type3A_14 = arith.truncf %dot_general3A_13 : vector<1600x896xf32> to vector<1600x896xbf16>
    %get3A_15 = arith.constant 0 : index
    %get3A_16 = arith.constant 0 : index
    %get3A_17 = vector.load %arg5[%get3A_15, %get3A_16] : memref<1x896xbf16, #tpu.memory_space<vmem>>, vector<1x896xbf16>
    %add3A = vector.broadcast %get3A_17 : vector<1x896xbf16> to vector<1600x896xbf16>
    %add3A_18 = arith.addf %convert_element_type3A_14, %add3A : vector<1600x896xbf16>
    %ge3A = arith.constant 0.000000e+00 : bf16
    %ge3A_19 = vector.broadcast %ge3A : bf16 to vector<1600x896xbf16>
    %ge3A_20 = arith.cmpf oge, %add3A_18, %ge3A_19 : vector<1600x896xbf16>
    %mul3A = arith.constant 1.000980e-02 : bf16
    %mul3A_21 = vector.broadcast %mul3A : bf16 to vector<1600x896xbf16>
    %mul3A_22 = arith.mulf %mul3A_21, %add3A_18 : vector<1600x896xbf16>
    %select_n3A = arith.select %ge3A_20, %add3A_18, %mul3A_22 : vector<1600x896xi1>, vector<1600x896xbf16>
    %get3A_23 = arith.constant 0 : index
    %get3A_24 = arith.constant 0 : index
    %get3A_25 = vector.load %arg6[%get3A_23, %get3A_24] : memref<896x1xbf16, #tpu.memory_space<vmem>>, vector<896x1xbf16>
    %dot_general3A_26 = arith.constant dense<0.000000e+00> : vector<1600x1xf32>
    %dot_general3A_27 = tpu.matmul %select_n3A, %get3A_25, %dot_general3A_26 {dimension_numbers = #tpu.dot_dimension_numbers<[1], [0], [0], [1], [0, 0, 1, 1], [], []>, transpose_lhs_hint = false} : vector<1600x896xbf16>, vector<896x1xbf16>, vector<1600x1xf32> -> vector<1600x1xf32>
    %get3A_28 = arith.constant 0 : index
    %get3A_29 = arith.constant 0 : index
    %get3A_30 = vector.load %arg7[%get3A_28, %get3A_29] : memref<1x1xf32, #tpu.memory_space<vmem>>, vector<1x1xf32>
    %add3A_31 = vector.broadcast %get3A_30 : vector<1x1xf32> to vector<1600x1xf32>
    %add3A_32 = arith.addf %dot_general3A_27, %add3A_31 : vector<1600x1xf32>
    %neg3A = arith.constant 0.000000e+00 : f32
    %neg3A_33 = vector.broadcast %neg3A : f32 to vector<1600x1xf32>
    %neg3A_34 = arith.subf %neg3A_33, %add3A_32 : vector<1600x1xf32>
    %exp3A = math.exp %neg3A_34 : vector<1600x1xf32>
    %add3A_35 = arith.constant 1.000000e+00 : f32
    %add3A_36 = vector.broadcast %add3A_35 : f32 to vector<1600x1xf32>
    %add3A_37 = arith.addf %add3A_36, %exp3A : vector<1600x1xf32>
    %div3A = arith.constant 1.000000e+00 : f32
    %div3A_38 = vector.broadcast %div3A : f32 to vector<1600x1xf32>
    %div3A_39 = arith.divf %div3A_38, %add3A_37 : vector<1600x1xf32>
    %slice3A = vector.extract_strided_slice %select_n3A {offsets = [0, 0], sizes = [1600, 256], strides = [1, 1]} : vector<1600x896xbf16> to vector<1600x256xbf16>
    %get3A_40 = arith.constant 0 : index
    %get3A_41 = arith.constant 0 : index
    %get3A_42 = vector.load %arg8[%get3A_40, %get3A_41] : memref<256x128xbf16, #tpu.memory_space<vmem>>, vector<256x128xbf16>
    %dot_general3A_43 = arith.constant dense<0.000000e+00> : vector<1600x128xf32>
    %dot_general3A_44 = tpu.matmul %slice3A, %get3A_42, %dot_general3A_43 {dimension_numbers = #tpu.dot_dimension_numbers<[1], [0], [0], [1], [0, 0, 1, 1], [], []>, transpose_lhs_hint = false} : vector<1600x256xbf16>, vector<256x128xbf16>, vector<1600x128xf32> -> vector<1600x128xf32>
    %get3A_45 = arith.constant 0 : index
    %get3A_46 = arith.constant 0 : index
    %get3A_47 = vector.load %arg10[%get3A_45, %get3A_46] : memref<2x128xf32, #tpu.memory_space<vmem>>, vector<1x128xf32>
    %add3A_48 = vector.broadcast %get3A_47 : vector<1x128xf32> to vector<1600x128xf32>
    %add3A_49 = arith.addf %dot_general3A_44, %add3A_48 : vector<1600x128xf32>
    %slice3A_50 = vector.extract_strided_slice %select_n3A {offsets = [0, 256], sizes = [1600, 256], strides = [1, 1]} : vector<1600x896xbf16> to vector<1600x256xbf16>
    %get3A_51 = arith.constant 0 : index
    %get3A_52 = arith.constant 0 : index
    %get3A_53 = vector.load %arg9[%get3A_51, %get3A_52] : memref<256x128xbf16, #tpu.memory_space<vmem>>, vector<256x128xbf16>
    %dot_general3A_54 = arith.constant dense<0.000000e+00> : vector<1600x128xf32>
    %dot_general3A_55 = tpu.matmul %slice3A_50, %get3A_53, %dot_general3A_54 {dimension_numbers = #tpu.dot_dimension_numbers<[1], [0], [0], [1], [0, 0, 1, 1], [], []>, transpose_lhs_hint = false} : vector<1600x256xbf16>, vector<256x128xbf16>, vector<1600x128xf32> -> vector<1600x128xf32>
    %get3A_56 = arith.constant 1 : index
    %get3A_57 = arith.constant 0 : index
    %get3A_58 = vector.load %arg10[%get3A_56, %get3A_57] : memref<2x128xf32, #tpu.memory_space<vmem>>, vector<1x128xf32>
    %add3A_59 = vector.broadcast %get3A_58 : vector<1x128xf32> to vector<1600x128xf32>
    %add3A_60 = arith.addf %dot_general3A_55, %add3A_59 : vector<1600x128xf32>
    %sub3A = arith.subf %add3A_49, %add3A_60 : vector<1600x128xf32>
    %mul3A_61 = vector.broadcast %div3A_39 : vector<1600x1xf32> to vector<1600x128xf32>
    %mul3A_62 = arith.mulf %mul3A_61, %sub3A : vector<1600x128xf32>
    %add3A_63 = arith.addf %add3A_60, %mul3A_62 : vector<1600x128xf32>
    %mul3A_64 = arith.constant 5.000000e-01 : f32
    %mul3A_65 = vector.broadcast %mul3A_64 : f32 to vector<1600x128xf32>
    %mul3A_66 = arith.mulf %mul3A_65, %add3A_63 : vector<1600x128xf32>
    %swap3A = arith.constant 0 : index
    %swap3A_67 = arith.constant 0 : index
    %swap3A_68 = vector.load %arg11[%swap3A, %swap3A_67] : memref<1600x128xf32, #tpu.memory_space<vmem>>, vector<1600x128xf32>
    tpu.vector_store %arg11[%swap3A, %swap3A_67], %mul3A_66 {strides = array<i32>} : memref<1600x128xf32, #tpu.memory_space<vmem>>, vector<1600x128xf32>,
    return
  }
  func.func @transform_0(%arg0: i32) -> (i32, i32) {
    %c0_i32 = arith.constant 0 : i32
    %c0_i32_0 = arith.constant 0 : i32
    return %arg0, %c0_i32 : i32, i32
  }
  func.func @transform_1(%arg0: i32) -> (i32, i32) {
    %c0_i32 = arith.constant 0 : i32
    %c0_i32_0 = arith.constant 0 : i32
    return %arg0, %c0_i32 : i32, i32
  }
  func.func @transform_2(%arg0: i32) -> (i32, i32) {
    %add3A = arith.constant 50 : i32
    %add3A_0 = arith.addi %arg0, %add3A : i32
    %c0_i32 = arith.constant 0 : i32
    %c0_i32_1 = arith.constant 0 : i32
    return %add3A_0, %c0_i32 : i32, i32
  }
  func.func @transform_3(%arg0: i32) -> (i32, i32) {
    %c0_i32 = arith.constant 0 : i32
    %c0_i32_0 = arith.constant 0 : i32
    %c0_i32_1 = arith.constant 0 : i32
    return %c0_i32, %c0_i32_0 : i32, i32
  }
  func.func @transform_4(%arg0: i32) -> (i32, i32) {
    %c0_i32 = arith.constant 0 : i32
    %c0_i32_0 = arith.constant 0 : i32
    %c0_i32_1 = arith.constant 0 : i32
    return %c0_i32, %c0_i32_0 : i32, i32
  }
  func.func @transform_5(%arg0: i32) -> (i32, i32) {
    %c0_i32 = arith.constant 0 : i32
    %c0_i32_0 = arith.constant 0 : i32
    %c0_i32_1 = arith.constant 0 : i32
    return %c0_i32, %c0_i32_0 : i32, i32
  }
  func.func @transform_6(%arg0: i32) -> (i32, i32) {
    %c0_i32 = arith.constant 0 : i32
    %c0_i32_0 = arith.constant 0 : i32
    %c0_i32_1 = arith.constant 0 : i32
    return %c0_i32, %c0_i32_0 : i32, i32
  }
  func.func @transform_7(%arg0: i32) -> (i32, i32) {
    %c0_i32 = arith.constant 0 : i32
    %c0_i32_0 = arith.constant 0 : i32
    %c0_i32_1 = arith.constant 0 : i32
    return %c0_i32, %c0_i32_0 : i32, i32
  }
  func.func @transform_8(%arg0: i32) -> (i32, i32) {
    %c0_i32 = arith.constant 0 : i32
    %c0_i32_0 = arith.constant 0 : i32
    %c0_i32_1 = arith.constant 0 : i32
    return %c0_i32, %c0_i32_0 : i32, i32
  }
  func.func @transform_9(%arg0: i32) -> (i32, i32) {
    %c0_i32 = arith.constant 0 : i32
    %c0_i32_0 = arith.constant 0 : i32
    %c0_i32_1 = arith.constant 0 : i32
    return %c0_i32, %c0_i32_0 : i32, i32
  }
  func.func @transform_10(%arg0: i32) -> (i32, i32) {
    %c0_i32 = arith.constant 0 : i32
    %c0_i32_0 = arith.constant 0 : i32
    return %arg0, %c0_i32 : i32, i32
  }
}

module attributes {stable_mosaic.version = 14 : i64} {
  func.func @_add_body(%arg0: i32, %arg1: memref<1x2000x128xf32, #tpu.memory_space<vmem>>, %arg2: memref<1x2000x128xf32, #tpu.memory_space<vmem>>, %arg3: memref<1x2000x128xf32, #tpu.memory_space<vmem>>, %arg4: memref<1x2000x128xf32, #tpu.memory_space<vmem>>, %arg5: memref<2000x128xf32, #tpu.memory_space<vmem>>) attributes {dimension_semantics = [#tpu.dimension_semantics<arbitrary>], iteration_bounds = array<i64: 5>, scalar_prefetch = 0 : i64, scratch_operands = 0 : i64, tpu.core_type = #tpu.core_type<tc>, window_params = [{transform_indices = @transform_0, window_bounds = array<i64: 1, 2000, 128>}, {transform_indices = @transform_1, window_bounds = array<i64: 1, 2000, 128>}, {transform_indices = @transform_2, window_bounds = array<i64: 1, 2000, 128>}, {transform_indices = @transform_3, window_bounds = array<i64: 1, 2000, 128>}, {transform_indices = @transform_4, window_bounds = array<i64: 2000, 128>}]} {
    %get3A = arith.constant 0 : index
    %get3A_0 = arith.constant 0 : index
    %get3A_1 = arith.constant 0 : index
    %get3A_2 = vector.load %arg1[%get3A, %get3A_0, %get3A_1] : memref<1x2000x128xf32, #tpu.memory_space<vmem>>, vector<1x2000x128xf32>
    %get3A_3 = vector.shape_cast %get3A_2 : vector<1x2000x128xf32> to vector<2000x128xf32>
    %get3A_4 = arith.constant 0 : index
    %get3A_5 = arith.constant 0 : index
    %get3A_6 = arith.constant 0 : index
    %get3A_7 = vector.load %arg2[%get3A_4, %get3A_5, %get3A_6] : memref<1x2000x128xf32, #tpu.memory_space<vmem>>, vector<1x2000x128xf32>
    %get3A_8 = vector.shape_cast %get3A_7 : vector<1x2000x128xf32> to vector<2000x128xf32>
    %add3A = arith.addf %get3A_3, %get3A_8 : vector<2000x128xf32>
    %get3A_9 = arith.constant 0 : index
    %get3A_10 = arith.constant 0 : index
    %get3A_11 = arith.constant 0 : index
    %get3A_12 = vector.load %arg3[%get3A_9, %get3A_10, %get3A_11] : memref<1x2000x128xf32, #tpu.memory_space<vmem>>, vector<1x2000x128xf32>
    %get3A_13 = vector.shape_cast %get3A_12 : vector<1x2000x128xf32> to vector<2000x128xf32>
    %get3A_14 = arith.constant 0 : index
    %get3A_15 = arith.constant 0 : index
    %get3A_16 = arith.constant 0 : index
    %get3A_17 = vector.load %arg4[%get3A_14, %get3A_15, %get3A_16] : memref<1x2000x128xf32, #tpu.memory_space<vmem>>, vector<1x2000x128xf32>
    %get3A_18 = vector.shape_cast %get3A_17 : vector<1x2000x128xf32> to vector<2000x128xf32>
    %add3A_19 = arith.addf %get3A_13, %get3A_18 : vector<2000x128xf32>
    %add3A_20 = arith.addf %add3A, %add3A_19 : vector<2000x128xf32>
    %swap3A = arith.constant 0 : index
    %swap3A_21 = arith.constant 0 : index
    %swap3A_22 = vector.load %arg5[%swap3A, %swap3A_21] : memref<2000x128xf32, #tpu.memory_space<vmem>>, vector<2000x128xf32>
    tpu.vector_store %arg5[%swap3A, %swap3A_21], %add3A_20 {strides = array<i32>} : memref<2000x128xf32, #tpu.memory_space<vmem>>, vector<2000x128xf32>,
    return
  }
  func.func @transform_0(%arg0: i32) -> (i32, i32, i32) {
    %c0_i32 = arith.constant 0 : i32
    %c0_i32_0 = arith.constant 0 : i32
    %c0_i32_1 = arith.constant 0 : i32
    return %c0_i32, %arg0, %c0_i32_0 : i32, i32, i32
  }
  func.func @transform_1(%arg0: i32) -> (i32, i32, i32) {
    %c1_i32 = arith.constant 1 : i32
    %c0_i32 = arith.constant 0 : i32
    %c0_i32_0 = arith.constant 0 : i32
    return %c1_i32, %arg0, %c0_i32 : i32, i32, i32
  }
  func.func @transform_2(%arg0: i32) -> (i32, i32, i32) {
    %c0_i32 = arith.constant 0 : i32
    %c0_i32_0 = arith.constant 0 : i32
    %c0_i32_1 = arith.constant 0 : i32
    return %c0_i32, %arg0, %c0_i32_0 : i32, i32, i32
  }
  func.func @transform_3(%arg0: i32) -> (i32, i32, i32) {
    %c1_i32 = arith.constant 1 : i32
    %c0_i32 = arith.constant 0 : i32
    %c0_i32_0 = arith.constant 0 : i32
    return %c1_i32, %arg0, %c0_i32 : i32, i32, i32
  }
  func.func @transform_4(%arg0: i32) -> (i32, i32) {
    %c0_i32 = arith.constant 0 : i32
    %c0_i32_0 = arith.constant 0 : i32
    return %arg0, %c0_i32 : i32, i32
  }
}

</mosaic_0001>

<sc_bundles>
// kernel: kernel.12.cloned.1.call-start
scs
__scs_entry_jumppad:
0x0: {  	(pc) =	sbr.rel $0x88, $3  }
0x1: {  	(tag) =	ssettag $0x0;
	lr =	simm.s32 $0x1  }
0x2: {  	[smem:$0x3F96] =	sst lr;
	_ =	strace $0xD0000000  }
0x3: {  	_ = 	snop  }
0x4: {  	_ = 	snop  }
0x5: {  	_ = 	snop  }
0x6: {  	_ = 	snop  }
0x7: {  	_ = 	snop  }
__scs_overlays_trampoline_lowered:
0x8: {  	[smem:$0x3FA5] =	sst s0  }
0x9: {  	[smem:$0x3FA6] =	sst s1  }
0xa: {  	[smem:$0x3FA7] =	sst s2  }
0xb: {  	[smem:$0x3FA8] =	sst s3  }
0xc: {  	[smem:$0x3FA9] =	sst s4  }
0xd: {  	[smem:$0x3FAA] =	sst s5  }
0xe: {  	[smem:$0x3FAB] =	sst s6  }
0xf: {  	[smem:$0x3FAC] =	sst s7  }
0x10: {  	[smem:$0x3FAD] =	sst s8  }
0x11: {  	[smem:$0x3FAE] =	sst s9;
	s0 =	simm.s32 @!p0 $0x0  }
0x12: {  	s1 =	sld [smem:$0x3F94];
	s0 =	simm.s32 @p0 $0x1  }
0x13: {  	[smem:$0x3FAF] =	sst s0;
	s0 =	simm.s32 @!p1 $0x0  }
0x14: {  	s2 =	sld [smem:$0x3F93];
	s0 =	simm.s32 @p1 $0x1  }
0x15: {  	[smem:$0x3FB0] =	sst s0;
	s0 =	simm.s32 @!p2 $0x0  }
0x16: {  	s3 =	sld [smem:$0x3FDB];
	s0 =	simm.s32 @p2 $0x1  }
0x17: {  	s4 =	simm.s32 $0x1BF5;
	[smem:$0x3FB2] =	sst s0  }
0x18: {  	s0 =	sld [smem:$0x3F95];
	_ =	swait.ge [sflag:s4], $0x0  }
0x19: {  	s7 =	sld [smem:$0x3F96]  }
0x1a: {  	s8 =	sadd.s32 $0xFFFFE003, lr  }
0x1b: {  	s9 =	sadd.s32 $0xFFFFFEF7, lr;
	s5 =	simm.s32 $0xFFFFFFFF;
	p2 =	slt.u32 s8, $0xFFFFF086  }
0x1c: {  	p1 =	slt.u32 s9, $0xF7A;
	s5 =	simm.s32 @!p2 $0x0  }
0x1d: {  	s5 =	simm.s32 @p1 $0x1;
	p0 =	seq.s32 s7, s2  }
0x1e: {  	s7 =	smul.u32 @!p0 $0xF7A, s2;
	p2 =	seq.s32 @!p0 s5, $0x0  }
0x1f: {  	s9 =	smul.u32 $0xF7A, s1;
	s8 =	simm.s32 @!p0 $0x1BF5;
	p2 =	por !p2, p0  }
0x20: {  	[sflag:s8] =	ssyncset.s32 @!p0 $0xFFFFF086;
	s6 =	sadd.s32 @!p0 s3, s7;
	s7 =	simm.s32 @!p0 $0x108  }
0x21: {  	s3 =	sadd.s32 s3, s9;
	s6 =	sadd.s32 @!p0 $0x88, s6;
	s7 =	simm.s32 @p2 $0x1082  }
0x22: {  	[simem:s7], [sflag:s8] =	dma.local @!p0 [hbm:s6], $0xF7A  }
0x23: {  	s9 =	sor.u32 $0xD0000000, s2;
	s6 =	simm.s32 $0x108;
	_ =	swait.ge @!p0 [sflag:s8], $0x0  }
0x24: {  	s3 =	sadd.s32 $0x88, s3;
	s6 =	simm.s32 @!p1 $0x1082;
	[sflag:s4] =	ssyncset.s32 $0xFFFFF086  }
0x25: {  	[simem:s6], [sflag:s4] =	dma.local [hbm:s3], $0xF7A  }
0x26: {  	[smem:$0x3F96] =	sst s1;
	(tag) =	ssettag s2;
	_ =	strace s9  }
0x27: {  	s1 =	sld [smem:$0x3FA6]  }
0x28: {  	s2 =	sld [smem:$0x3FA7]  }
0x29: {  	s4 =	sld [smem:$0x3FA9]  }
0x2a: {  	p0 =	seq.s32 s5, $0x0;
	s5 =	sld [smem:$0x3FAA]  }
0x2b: {  	s6 =	sld [smem:$0x3FAB]  }
0x2c: {  	s7 =	sld [smem:$0x3FAC]  }
0x2d: {  	s3 =	simm.s32 $0x108;
	s8 =	sld [smem:$0x3FAD]  }
0x2e: {  	s3 =	simm.s32 @!p0 $0x1082;
	s9 =	sld [smem:$0x3FAE]  }
0x2f: {  	lr =	sadd.s32 s0, s3;
	s0 =	sld [smem:$0x3FA5]  }
0x30: {  	s3 =	sld [smem:$0x3FA8]  }
0x31: {  	[smem:$0x3FB1] =	sst s10  }
0x32: {  	s10 =	sld [smem:$0x3FAF];
	_ =	sdelay $0x3  }
0x33: {  	p0 =	seq.s32 s10, $0x1;
	s10 =	sld [smem:$0x3FB1];
	_ =	sdelay $0x3  }
0x34: {  	[smem:$0x3FB1] =	sst s10  }
0x35: {  	s10 =	sld [smem:$0x3FB0];
	_ =	sdelay $0x3  }
0x36: {  	p1 =	seq.s32 s10, $0x1;
	s10 =	sld [smem:$0x3FB1];
	_ =	sdelay $0x3  }
0x37: {  	[smem:$0x3FB1] =	sst s10  }
0x38: {  	s10 =	sld [smem:$0x3FB2]  }
0x39: {  	_ = 	snop;
	(pc) =	sbr.ind lr, $3  }
0x3a: {  	_ = 	snop  }
0x3b: {  	_ = 	snop  }
0x3c: {  	p2 =	seq.s32 s10, $0x1;
	s10 =	sld [smem:$0x3FB1]  }
0x3d: {  	_ =	shalt  }
0x3e: {  	_ =	shalt  }
0x3f: {  	_ =	shalt  }
0x40: {  	_ =	shalt  }
0x41: {  	_ =	shalt  }
0x42: {  	_ =	shalt  }
0x43: {  	_ =	shalt  }
0x44: {  	_ =	shalt  }
0x45: {  	_ =	shalt  }
0x46: {  	_ =	shalt  }
0x47: {  	_ =	shalt  }
0x48: {  	_ =	shalt  }
0x49: {  	_ =	shalt  }
0x4a: {  	_ =	shalt  }
0x4b: {  	_ =	shalt  }
0x4c: {  	_ =	shalt  }
0x4d: {  	_ =	shalt  }
0x4e: {  	_ =	shalt  }
0x4f: {  	_ =	shalt  }
0x50: {  	_ =	shalt  }
0x51: {  	_ =	shalt  }
0x52: {  	_ =	shalt  }
0x53: {  	_ =	shalt  }
0x54: {  	_ =	shalt  }
0x55: {  	_ =	shalt  }
0x56: {  	_ =	shalt  }
0x57: {  	_ =	shalt  }
0x58: {  	_ =	shalt  }
0x59: {  	_ =	shalt  }
0x5a: {  	_ =	shalt  }
0x5b: {  	_ =	shalt  }
0x5c: {  	_ =	shalt  }
0x5d: {  	_ =	shalt  }
0x5e: {  	_ =	shalt  }
0x5f: {  	_ =	shalt  }
0x60: {  	_ =	shalt  }
0x61: {  	_ =	shalt  }
0x62: {  	_ =	shalt  }
0x63: {  	_ =	shalt  }
0x64: {  	_ =	shalt  }
0x65: {  	_ =	shalt  }
0x66: {  	_ =	shalt  }
0x67: {  	_ =	shalt  }
0x68: {  	_ =	shalt  }
0x69: {  	_ =	shalt  }
0x6a: {  	_ =	shalt  }
0x6b: {  	_ =	shalt  }
0x6c: {  	_ =	shalt  }
0x6d: {  	_ =	shalt  }
0x6e: {  	_ =	shalt  }
0x6f: {  	_ =	shalt  }
0x70: {  	_ =	shalt  }
0x71: {  	_ =	shalt  }
0x72: {  	_ =	shalt  }
0x73: {  	_ =	shalt  }
0x74: {  	_ =	shalt  }
0x75: {  	_ =	shalt  }
0x76: {  	_ =	shalt  }
0x77: {  	_ =	shalt  }
0x78: {  	_ =	shalt  }
0x79: {  	_ =	shalt  }
0x7a: {  	_ =	shalt  }
0x7b: {  	_ =	shalt  }
0x7c: {  	_ =	shalt  }
0x7d: {  	_ =	shalt  }
0x7e: {  	_ =	shalt  }
0x7f: {  	_ =	shalt  }
0x80: {  	_ =	shalt  }
0x81: {  	_ =	shalt  }
0x82: {  	_ =	shalt  }
0x83: {  	_ =	shalt  }
0x84: {  	_ =	shalt  }
0x85: {  	_ =	shalt  }
0x86: {  	_ =	shalt  }
0x87: {  	_ =	shalt  }
.Lfunc_end0:
.L_simem_size_0:
called_computation.1_lowered:
.L_overlay_start_0:
0x88: {  	s2 =	sld [smem:$0x3FD9]  }
0x89: {  	s3 =	sld [smem:$0x3FFE];
	_ =	sdelay $0x1  }
0x8a: {  	s1 =	srdreg.scid  }
0x8b: {  	s0 =	sand.u32 $0x1, s1  }
0x8c: {  	s17 =	sshll.u32 s0, $0xA;
	s2 =	sadd.s32 s3, s2  }
0x8d: {  	s2 =	sadd.s32 s2, s17  }
0x8e: {  	[smem:$0x3FBD] =	sst s2  }
0x8f: {  	_ = 	snop  }
0x90: {  	s18 =	sld [smem:$0x3FD0];
	(tm) =	ssettm $0x1  }
0x91: {  	s19 =	sld [smem:$0x3FFB];
	_ =	sdelay $0x3  }
0x92: {  	_ =	strace s19  }
0x93: {  	s2 =	sld [smem:$0x3FFC];
	_ =	sdelay $0x3  }
0x94: {  	_ =	strace s2  }
0x95: {  	s2 =	sld [smem:$0x3FFD];
	_ =	sdelay $0x3  }
0x96: {  	_ =	strace s2  }
0x97: {  	_ =	strace $0x8FFFFFFF  }
0x98: {  	s20 =	sld [smem:$0x3FDB];
	_ =	sdelay $0x1  }
0x99: {  	s4 =	simm.s32 $_scs_section_size  }
0x9a: {  	s5 =	simm.s32 $_size__tile_overlayer_lowered;
	s6 =	simm.s32 $_tile_overlayer_lowered  }
0x9b: {  	s7 =	simm.s32 $0x1BFF;
	s21 =	sshll.u32 s6, $0x1;
	s4 =	sadd.s32 s4, s20  }
0x9c: {  	s22 =	simm.s32 $0x0;
	s5 =	sshll.u32 s5, $0x1;
	s6 =	sadd.s32 s21, s4  }
0x9d: {  	[timem:s22], [sflag:s7] =	dma.local [hbm:s6], s5  }
0x9e: {  	_ =	swait.ge [sflag:s7], s5  }
0x9f: {  	s5 =	ssub.s32 $0x0, s5;
	[sflag:s7] =	ssyncset.done $0x0  }
0xa0: {  	[sflag:s7] =	ssyncadd.s32 s5;
	_ =	sdelay $0x1  }
0xa1: {  	s23 =	simm.s32 $0x1B8B  }
0xa2: {  	_ =	swait.ge [sflag:s23], $0x1  }
0xa3: {  	[sflag:s23] =	ssyncset.done $0x0  }
0xa4: {  	[sflag:s23] =	ssyncadd.s32 $0xFFFFFFFF  }
0xa5: {  	s5 =	sld [smem:$0x0]  }
0xa6: {  	s6 =	sand.u32 $0xFFFFFFFE, s1  }
0xa7: {  	p0 =	sne.s32 s1, s6  }
0xa8: {  	s6 =	sshll.u32 @p0 s6, $0xE  }
0xa9: {  	s6 =	sadd.s32 @p0 $0x11B8D, s6;
	s7 =	sshll.u32 @p0 s5, $0x11  }
0xaa: {  	s6 =	sor.u32 @p0 s7, s6  }
0xab: {  	[sflag:s6] =	ssyncadd.remote.s32 @p0 $0x1;
	_ =	sdelay $0x1  }
0xac: {  	s6 =	simm.s32 @p0 $0x1B8D  }
0xad: {  	_ =	swait.eq @p0 [sflag:s6], $0x1  }
0xae: {  	[sflag:s6] =	ssyncadd.s32 @p0 $0xFFFFFFFF  }
0xaf: {  	s7 =	sshll.u32 @!p0 s1, $0xE  }
0xb0: {  	s7 =	sor.u32 @!p0 $0x4000, s7;
	s6 =	simm.s32 @!p0 $0x1B8D  }
0xb1: {  	s5 =	sshll.u32 @!p0 s5, $0x11;
	s7 =	sadd.s32 @!p0 $0x11B8D, s7;
	_ =	swait.eq @!p0 [sflag:s6], $0x1  }
0xb2: {  	s5 =	sor.u32 @!p0 s5, s7;
	[sflag:s6] =	ssyncadd.s32 @!p0 $0xFFFFFFFF  }
0xb3: {  	s25 =	simm.s32 $0x1B8E;
	s24 =	sld [smem:$0x3FFE];
	[sflag:s5] =	ssyncadd.remote.s32 @!p0 $0x1  }
0xb4: {  	s26 =	simm.s32 $execute0_lowered;
	[smem:$0x3FD2] =	sst s25  }
0xb5: {  	s6 =	sshll.u32 s26, $0x1;
	_ =	strace $0x8000004F;
	[dreg:$0x1] =	wrdreg $0xFFFFFFFF  }
0xb6: {  	s28 =	simm.s32 $_size_execute0_lowered;
	s4 =	sadd.s32 s4, s6;
	[dreg:$0x0] =	wrdreg $0x0  }
0xb7: {  	s6 =	sshll.u32 s28, $0x1;
	[dreg:$0x2] =	wrdreg s4  }
0xb8: {  	[dreg:$0x3] =	wrdreg s6  }
0xb9: {  	[dreg:$0x4] =	wrdreg $0xC0  }
0xba: {  	_ =	task [dreg:s22], $0x5FFFF  }
0xbb: {  	[dreg:$0x1] =	wrdreg $0xFFFFFFFF  }
0xbc: {  	[dreg:$0x0] =	wrdreg $0x60  }
0xbd: {  	[dreg:$0x2] =	wrdreg s24  }
0xbe: {  	[dreg:$0x3] =	wrdreg s18  }
0xbf: {  	[dreg:$0x4] =	wrdreg $0x8C000  }
0xc0: {  	[dreg:$0x5] =	wrdreg $0x9  }
0xc1: {  	_ =	task.clear_ibuf [dreg:s22], $0x6FFFF;
	_ =	strace $0x9000004F  }
0xc2: {  	s29 =	simm.s32 $0x9;
	_ =	strace $0x80000051  }
0xc3: {  	_ =	swait.ge [sflag:s29], $0x1  }
0xc4: {  	[sflag:s29] =	ssyncadd.s32 $0xFFFFFFFF  }
0xc5: {  	_ =	strace $0x90000051  }
0xc6: {  	_ =	sfence  }
0xc7: {  	s30 =	sld [smem:$0x0];
	_ =	sdelay $0x2  }
0xc8: {  	s31 =	sshll.u32 s1, $0xD;
	s1 =	sshrl.u32 s1, $0x2  }
0xc9: {  	s4 =	sand.u32 $0x4000, s31;
	s1 =	sadd.s32 s1, s30  }
0xca: {  	s0 =	sor.u32 s4, s0;
	s1 =	sshll.u32 s1, $0x11  }
0xcb: {  	s0 =	sor.u32 s1, s0  }
0xcc: {  	s0 =	sadd.s32 $0x8F2B, s0  }
0xcd: {  	[sflag:s0] =	ssyncadd.remote.s32 $0x1  }
0xce: {  	_ =	sfence.sel $0xFFFF  }
0xcf: {  	[dreg:$0x0] =	wrdreg $0xFFFFFFFF;
	(pc) =	sbr.abs _section_cstart, $3  }
0xd0: {  	[dreg:$0x1] =	wrdreg $0xFFFFFFFF  }
0xd1: {  	_ =	task.clear_ibuf [dreg:s22], $0x2FFFF;
	_ =	strace $0x9FFFFFFF  }
0xd2: {  	(tm) =	ssettm $0x7FFFFFFF  }
0xd3: {  	_ =	shalt  }
tec
execute0_lowered:
.L_overlay_start_1:
0x0: {  	(tag) =	ssettag $0x1  }
0x1: {  	s5 =	rddreg [dreg:$0x0]  }
0x2: {  	s6 =	rddreg [dreg:$0x1]  }
0x3: {  	s1 =	rddreg [dreg:$0x2]  }
0x4: {  	s2 =	srdreg.scid;
	s0 =	rddreg [dreg:$0x3];
	s3 =	simm.s32 $0x0  }
0x5: {  	s16 =	simm.s32 $0x4C00;
	s17 =	simm.s32 $0x80;
	s18 =	simm.s32 $0x2  }
0x6: {  	s19 =	simm.s32 $0x900;
	s20 =	simm.s32 $0x980;
	s21 =	simm.s32 $0x0  }
0x7: {  	s7 =	sand.u32 $0x1, s2;
	s2 =	stileid.u32;
	s10 =	sadd.s32 $0x765E00, s5  }
0x8: {  	[smem:$0x7FF] =	sst s3;
	s4 =	sadd.s32 $0x4ED600, s5;
	s8 =	smul.u32 $0x140000, s7  }
0x9: {  	s9 =	smul.u32 $0x14000, s2;
	_ =	strace $0x80000050;
	s11 =	ssub.s32 $0x2, s7  }
0xa: {  	s12 =	sshll.u32 s2, $0x1;
	s14 =	smul.u32 $0x50000, s2;
	s29 =	sshll.u32 s2, $0x6  }
0xb: {  	s30 =	smul.u32 $0xA000, s7;
	s13 =	sshrl.u32 s11, $0x1;
	s12 =	sor.u32 s7, s12  }
0xc: {  	s8 =	sadd.s32 s9, s8;
	s11 =	ssub.s32 s11, s13;
	s26 =	smul.u32 $0x180, s12  }
0xd: {  	s28 =	sshrl.u32 s14, $0x2;
	s12 =	smul.u32 $0xA000, s12;
	s13 =	simm.s32 $0x3  }
0xe: {  	s14 =	simm.s32 $0xC00;
	s8 =	sshrl.u32 s8, $0x3;
	s15 =	sadd.s32 s28, s1  }
0xf: {  	s8 =	sadd.s32 s8, s5;
	s5 =	sor.u32 $0x1C03, s29;
	s6 =	sadd.s32 s6, s26  }
0x10: {  	s7 =	sadd.s32 s10, s12;
	s10 =	sadd.s32 s9, s10;
	s9 =	smax.u32 s11, $0x1  }
0x11: {  	s12 =	sshrl.u32 s15, $0x3;
	s15 =	simm.s32 $0x1;
	s31 =	sadd.s32 s30, s10  }
0x12: {  	s8 =	sadd.s32 $0x53FE00, s8;
	s10 =	sadd.s32 $0x9800, s7;
	s11 =	sadd.s32 $0x1000, s31  }
.LBB2_1:
0x13: {  	[spmem:s12], [sflag:s5] =	dma.local [hbm:s4], $0x2800  }
0x14: {  	_ =	swait.ge [sflag:s13], $0x2800  }
0x15: {  	[sflag:s13] =	ssyncset.done $0x0  }
0x16: {  	[sflag:s13] =	ssyncadd.s32 $0xFFFFD800  }
0x17: {  	[tilespmem:s3], [sflag:$0x3] =	stream.linear.gather [hbm4b:s6+s3], $0xA00, $0x38;
	[tilespmem:$0x1CC00] =	vst v63  }
0x18: {  	_ =	swait.ge [sflag:s13], $0xA00  }
0x19: {  	[sflag:s13] =	ssyncset.done $0x0  }
0x1a: {  	[sflag:s13] =	ssyncadd.s32 $0xFFFFF600  }
0x1b: {  	[bflag:$0x0] =	sbarrier.arrive $0xFFFF  }
0x1c: {  	[tilespmem:s14], [sflag:$0x1] =	stream.linear.gather [hbm4b:s7+s3], $0x4000, $0x38;
	[tilespmem:$0x1CC00] =	vst v63  }
0x1d: {  	_ =	swait.ge [sflag:s15], $0x4000  }
0x1e: {  	[sflag:s15] =	ssyncset.done $0x0  }
0x1f: {  	s22 =	sadd.s32 $0xFFFFF800, s11;
	[sflag:s15] =	ssyncadd.s32 $0xFFFFC000  }
0x20: {  	[tilespmem:s16], [sflag:$0x2] =	stream.linear.gather [hbm4b:s22+s3], $0x4000, $0x38;
	[tilespmem:$0x1CC00] =	vst v63  }
0x21: {  	s30 =	simm.s32 $0x0  }
0x22: {  	[spmem:s1] =	stream.indirect.scatter.add.f32 [tilespmem:s14], [sflag:$0x3], $0x80, s30, s17, $0xb8;
	[tilespmem:$0x1CC00] =	vst v63  }
0x23: {  	_ =	swait.ge [sflag:s13], $0x4000  }
0x24: {  	[sflag:s13] =	ssyncset.done $0x0  }
0x25: {  	[sflag:s13] =	ssyncadd.s32 $0xFFFFC000  }
0x26: {  	_ =	swait.ge [sflag:s18], $0x4000  }
0x27: {  	[sflag:s18] =	ssyncset.done $0x0  }
0x28: {  	[sflag:s18] =	ssyncadd.s32 $0xFFFFC000  }
0x29: {  	[tilespmem:s14], [sflag:$0x1] =	stream.linear.gather [hbm4b:s11+s3], $0x4000, $0x38;
	[tilespmem:$0x1CC00] =	vst v63  }
0x2a: {  	s31 =	simm.s32 $0x80  }
0x2b: {  	[spmem:s1] =	stream.indirect.scatter.add.f32 [tilespmem:s16], [sflag:$0x3], $0x80, s31, s17, $0xb8;
	[tilespmem:$0x1CC00] =	vst v63  }
0x2c: {  	_ =	swait.ge [sflag:s13], $0x4000  }
0x2d: {  	s23 =	smov.u32 s11;
	s22 =	simm.s32 $0x400;
	[sflag:s13] =	ssyncset.done $0x0  }
.LBB2_2:
0x2e: {  	p0 =	sne.s32 s22, $0x2000;
	[sflag:s13] =	ssyncadd.s32 $0xFFFFC000;
	s23 =	sadd.s32 $0x1000, s23  }
0x2f: {  	s24 =	smov.u32 s22;
	s22 =	sadd.s32 $0x400, s22  }
0x30: {  	_ =	swait.ge [sflag:s15], $0x4000  }
0x31: {  	[sflag:s15] =	ssyncset.done $0x0  }
0x32: {  	s25 =	sadd.s32 $0xFFFFF800, s23;
	[sflag:s15] =	ssyncadd.s32 $0xFFFFC000  }
0x33: {  	[tilespmem:s16], [sflag:$0x2] =	stream.linear.gather [hbm4b:s25+s3], $0x4000, $0x38;
	[tilespmem:$0x1CC00] =	vst v63  }
0x34: {  	s24 =	sshra.s32 s24, $0x2  }
0x35: {  	[spmem:s1] =	stream.indirect.scatter.add.f32 [tilespmem:s14], [sflag:$0x3], $0x80, s24, s17, $0xb8;
	[tilespmem:$0x1CC00] =	vst v63  }
0x36: {  	_ =	swait.ge [sflag:s13], $0x4000  }
0x37: {  	[sflag:s13] =	ssyncset.done $0x0  }
0x38: {  	[sflag:s13] =	ssyncadd.s32 $0xFFFFC000  }
0x39: {  	_ =	swait.ge [sflag:s18], $0x4000  }
0x3a: {  	[sflag:s18] =	ssyncset.done $0x0  }
0x3b: {  	[sflag:s18] =	ssyncadd.s32 $0xFFFFC000  }
0x3c: {  	[tilespmem:s14], [sflag:$0x1] =	stream.linear.gather [hbm4b:s23+s3], $0x4000, $0x38;
	[tilespmem:$0x1CC00] =	vst v63  }
.Ltmp0:
0x3d: {  	_ = 	snop;
	(pc) =	sbr.rel @p0 .LBB2_2-.Ltmp0, $4  }
0x3e: {  	s24 =	sadd.s32 $0x80, s24  }
0x3f: {  	[spmem:s1] =	stream.indirect.scatter.add.f32 [tilespmem:s16], [sflag:$0x3], $0x80, s24, s17, $0xb8;
	[tilespmem:$0x1CC00] =	vst v63  }
0x40: {  	_ =	swait.ge [sflag:s13], $0x4000  }
0x41: {  	[sflag:s13] =	ssyncset.done $0x0  }
0x42: {  	[sflag:s13] =	ssyncadd.s32 $0xFFFFC000  }
0x43: {  	_ =	swait.ge [sflag:s15], $0x4000  }
0x44: {  	[sflag:s15] =	ssyncset.done $0x0  }
0x45: {  	[sflag:s15] =	ssyncadd.s32 $0xFFFFC000  }
0x46: {  	[tilespmem:s16], [sflag:$0x2] =	stream.linear.gather [hbm4b:s10+s3], $0x4000, $0x38;
	[tilespmem:$0x1CC00] =	vst v63  }
0x47: {  	_ = 	snop  }
0x48: {  	[spmem:s1] =	stream.indirect.scatter.add.f32 [tilespmem:s14], [sflag:$0x3], $0x80, s19, s17, $0xb8;
	[tilespmem:$0x1CC00] =	vst v63  }
0x49: {  	_ =	swait.ge [sflag:s13], $0x4000  }
0x4a: {  	[sflag:s13] =	ssyncset.done $0x0  }
0x4b: {  	[sflag:s13] =	ssyncadd.s32 $0xFFFFC000  }
0x4c: {  	_ =	swait.ge [sflag:s18], $0x4000  }
0x4d: {  	[sflag:s18] =	ssyncset.done $0x0  }
0x4e: {  	[sflag:s18] =	ssyncadd.s32 $0xFFFFC000  }
0x4f: {  	[spmem:s1] =	stream.indirect.scatter.add.f32 [tilespmem:s16], [sflag:$0x3], $0x80, s20, s17, $0xb8;
	[tilespmem:$0x1CC00] =	vst v63  }
0x50: {  	_ =	swait.ge [sflag:s13], $0x4000  }
0x51: {  	s21 =	sadd.s32 $0x1, s21;
	[sflag:s13] =	ssyncset.done $0x0  }
0x52: {  	p0 =	sne.s32 s21, s9;
	[sflag:s13] =	ssyncadd.s32 $0xFFFFC000  }
.Ltmp1:
0x53: {  	[bflag:$0x0] =	sbarrier.arrive $0xFFFF;
	(pc) =	sbr.rel @p0 .LBB2_1-.Ltmp1, $4  }
0x54: {  	[hbm:s8], [sflag:s5] =	dma.local [spmem:s12], $0x2800  }
0x55: {  	_ =	swait.ge [sflag:s13], $0x2800  }
0x56: {  	[sflag:s13] =	ssyncset.done $0x0  }
0x57: {  	[sflag:s13] =	ssyncadd.s32 $0xFFFFD800  }
0x58: {  	_ =	sfence.sel $0x180000  }
0x59: {  	[bflag:$0x0] =	sbarrier.arrive $0xFFFF  }
0x5a: {  	p0 =	sne.s32 s2, $0x0;
	_ =	strace $0x90000050  }
0x5b: {  	s0 =	sadd.s32 @!p0 $0x100000, s0;
	[bflag:$0x2] =	sbarrier.arrive $0xFFFF  }
0x5c: {  	[sflag:s0] =	ssyncadd.tile.s32 @!p0 $0x1;
	_ =	shalt  }
.Lfunc_end2:
_tile_overlayer_lowered:
.L_overlay_start_2:
0x5d: {  	(tag) =	ssettag $0x2  }
0x5e: {  	s0 =	rddreg [dreg:$0x0];
	s2 =	stileid.u32  }
0x5f: {  	s1 =	rddreg [dreg:$0x1];
	p0 =	sne.s32 s2, $0x0  }
0x60: {  	s3 =	rddreg [dreg:$0x2];
	[bflag:$0x3] =	sbarrier.arrive $0xFFFF;
	s2 =	simm.s32 @!p0 $0x1C03  }
0x61: {  	[timem:s3], [sflag:s2] =	dma.local @!p0 [hbm:s0], s1  }
0x62: {  	s0 =	simm.s32 @!p0 $0x3  }
0x63: {  	_ =	swait.ge @!p0 [sflag:s0], s1  }
0x64: {  	s1 =	ssub.s32 @!p0 $0x0, s1;
	[sflag:s0] =	ssyncset.done @!p0 $0x0  }
0x65: {  	[sflag:s0] =	ssyncadd.s32 @!p0 s1  }
0x66: {  	[bflag:$0x3] =	sbarrier.arrive $0xFFFF  }
0x67: {  	_ =	shalt  }

// kernel: kernel.15.cloned.1.call-start
scs
__scs_entry_jumppad:
0x0: {  	(pc) =	sbr.rel $0x88, $3  }
0x1: {  	(tag) =	ssettag $0x0;
	lr =	simm.s32 $0x1  }
0x2: {  	[smem:$0x3F96] =	sst lr;
	_ =	strace $0xD0000000  }
0x3: {  	_ = 	snop  }
0x4: {  	_ = 	snop  }
0x5: {  	_ = 	snop  }
0x6: {  	_ = 	snop  }
0x7: {  	_ = 	snop  }
__scs_overlays_trampoline_lowered:
0x8: {  	[smem:$0x3FA5] =	sst s0  }
0x9: {  	[smem:$0x3FA6] =	sst s1  }
0xa: {  	[smem:$0x3FA7] =	sst s2  }
0xb: {  	[smem:$0x3FA8] =	sst s3  }
0xc: {  	[smem:$0x3FA9] =	sst s4  }
0xd: {  	[smem:$0x3FAA] =	sst s5  }
0xe: {  	[smem:$0x3FAB] =	sst s6  }
0xf: {  	[smem:$0x3FAC] =	sst s7  }
0x10: {  	[smem:$0x3FAD] =	sst s8  }
0x11: {  	[smem:$0x3FAE] =	sst s9;
	s0 =	simm.s32 @!p0 $0x0  }
0x12: {  	s1 =	sld [smem:$0x3F94];
	s0 =	simm.s32 @p0 $0x1  }
0x13: {  	[smem:$0x3FAF] =	sst s0;
	s0 =	simm.s32 @!p1 $0x0  }
0x14: {  	s2 =	sld [smem:$0x3F93];
	s0 =	simm.s32 @p1 $0x1  }
0x15: {  	[smem:$0x3FB0] =	sst s0;
	s0 =	simm.s32 @!p2 $0x0  }
0x16: {  	s3 =	sld [smem:$0x3FDB];
	s0 =	simm.s32 @p2 $0x1  }
0x17: {  	s4 =	simm.s32 $0x1BF5;
	[smem:$0x3FB2] =	sst s0  }
0x18: {  	s0 =	sld [smem:$0x3F95];
	_ =	swait.ge [sflag:s4], $0x0  }
0x19: {  	s7 =	sld [smem:$0x3F96]  }
0x1a: {  	s8 =	sadd.s32 $0xFFFFE003, lr  }
0x1b: {  	s9 =	sadd.s32 $0xFFFFFEF7, lr;
	s5 =	simm.s32 $0xFFFFFFFF;
	p2 =	slt.u32 s8, $0xFFFFF086  }
0x1c: {  	p1 =	slt.u32 s9, $0xF7A;
	s5 =	simm.s32 @!p2 $0x0  }
0x1d: {  	s5 =	simm.s32 @p1 $0x1;
	p0 =	seq.s32 s7, s2  }
0x1e: {  	s7 =	smul.u32 @!p0 $0xF7A, s2;
	p2 =	seq.s32 @!p0 s5, $0x0  }
0x1f: {  	s9 =	smul.u32 $0xF7A, s1;
	s8 =	simm.s32 @!p0 $0x1BF5;
	p2 =	por !p2, p0  }
0x20: {  	[sflag:s8] =	ssyncset.s32 @!p0 $0xFFFFF086;
	s6 =	sadd.s32 @!p0 s3, s7;
	s7 =	simm.s32 @!p0 $0x108  }
0x21: {  	s3 =	sadd.s32 s3, s9;
	s6 =	sadd.s32 @!p0 $0x88, s6;
	s7 =	simm.s32 @p2 $0x1082  }
0x22: {  	[simem:s7], [sflag:s8] =	dma.local @!p0 [hbm:s6], $0xF7A  }
0x23: {  	s9 =	sor.u32 $0xD0000000, s2;
	s6 =	simm.s32 $0x108;
	_ =	swait.ge @!p0 [sflag:s8], $0x0  }
0x24: {  	s3 =	sadd.s32 $0x88, s3;
	s6 =	simm.s32 @!p1 $0x1082;
	[sflag:s4] =	ssyncset.s32 $0xFFFFF086  }
0x25: {  	[simem:s6], [sflag:s4] =	dma.local [hbm:s3], $0xF7A  }
0x26: {  	[smem:$0x3F96] =	sst s1;
	(tag) =	ssettag s2;
	_ =	strace s9  }
0x27: {  	s1 =	sld [smem:$0x3FA6]  }
0x28: {  	s2 =	sld [smem:$0x3FA7]  }
0x29: {  	s4 =	sld [smem:$0x3FA9]  }
0x2a: {  	p0 =	seq.s32 s5, $0x0;
	s5 =	sld [smem:$0x3FAA]  }
0x2b: {  	s6 =	sld [smem:$0x3FAB]  }
0x2c: {  	s7 =	sld [smem:$0x3FAC]  }
0x2d: {  	s3 =	simm.s32 $0x108;
	s8 =	sld [smem:$0x3FAD]  }
0x2e: {  	s3 =	simm.s32 @!p0 $0x1082;
	s9 =	sld [smem:$0x3FAE]  }
0x2f: {  	lr =	sadd.s32 s0, s3;
	s0 =	sld [smem:$0x3FA5]  }
0x30: {  	s3 =	sld [smem:$0x3FA8]  }
0x31: {  	[smem:$0x3FB1] =	sst s10  }
0x32: {  	s10 =	sld [smem:$0x3FAF];
	_ =	sdelay $0x3  }
0x33: {  	p0 =	seq.s32 s10, $0x1;
	s10 =	sld [smem:$0x3FB1];
	_ =	sdelay $0x3  }
0x34: {  	[smem:$0x3FB1] =	sst s10  }
0x35: {  	s10 =	sld [smem:$0x3FB0];
	_ =	sdelay $0x3  }
0x36: {  	p1 =	seq.s32 s10, $0x1;
	s10 =	sld [smem:$0x3FB1];
	_ =	sdelay $0x3  }
0x37: {  	[smem:$0x3FB1] =	sst s10  }
0x38: {  	s10 =	sld [smem:$0x3FB2]  }
0x39: {  	_ = 	snop;
	(pc) =	sbr.ind lr, $3  }
0x3a: {  	_ = 	snop  }
0x3b: {  	_ = 	snop  }
0x3c: {  	p2 =	seq.s32 s10, $0x1;
	s10 =	sld [smem:$0x3FB1]  }
0x3d: {  	_ =	shalt  }
0x3e: {  	_ =	shalt  }
0x3f: {  	_ =	shalt  }
0x40: {  	_ =	shalt  }
0x41: {  	_ =	shalt  }
0x42: {  	_ =	shalt  }
0x43: {  	_ =	shalt  }
0x44: {  	_ =	shalt  }
0x45: {  	_ =	shalt  }
0x46: {  	_ =	shalt  }
0x47: {  	_ =	shalt  }
0x48: {  	_ =	shalt  }
0x49: {  	_ =	shalt  }
0x4a: {  	_ =	shalt  }
0x4b: {  	_ =	shalt  }
0x4c: {  	_ =	shalt  }
0x4d: {  	_ =	shalt  }
0x4e: {  	_ =	shalt  }
0x4f: {  	_ =	shalt  }
0x50: {  	_ =	shalt  }
0x51: {  	_ =	shalt  }
0x52: {  	_ =	shalt  }
0x53: {  	_ =	shalt  }
0x54: {  	_ =	shalt  }
0x55: {  	_ =	shalt  }
0x56: {  	_ =	shalt  }
0x57: {  	_ =	shalt  }
0x58: {  	_ =	shalt  }
0x59: {  	_ =	shalt  }
0x5a: {  	_ =	shalt  }
0x5b: {  	_ =	shalt  }
0x5c: {  	_ =	shalt  }
0x5d: {  	_ =	shalt  }
0x5e: {  	_ =	shalt  }
0x5f: {  	_ =	shalt  }
0x60: {  	_ =	shalt  }
0x61: {  	_ =	shalt  }
0x62: {  	_ =	shalt  }
0x63: {  	_ =	shalt  }
0x64: {  	_ =	shalt  }
0x65: {  	_ =	shalt  }
0x66: {  	_ =	shalt  }
0x67: {  	_ =	shalt  }
0x68: {  	_ =	shalt  }
0x69: {  	_ =	shalt  }
0x6a: {  	_ =	shalt  }
0x6b: {  	_ =	shalt  }
0x6c: {  	_ =	shalt  }
0x6d: {  	_ =	shalt  }
0x6e: {  	_ =	shalt  }
0x6f: {  	_ =	shalt  }
0x70: {  	_ =	shalt  }
0x71: {  	_ =	shalt  }
0x72: {  	_ =	shalt  }
0x73: {  	_ =	shalt  }
0x74: {  	_ =	shalt  }
0x75: {  	_ =	shalt  }
0x76: {  	_ =	shalt  }
0x77: {  	_ =	shalt  }
0x78: {  	_ =	shalt  }
0x79: {  	_ =	shalt  }
0x7a: {  	_ =	shalt  }
0x7b: {  	_ =	shalt  }
0x7c: {  	_ =	shalt  }
0x7d: {  	_ =	shalt  }
0x7e: {  	_ =	shalt  }
0x7f: {  	_ =	shalt  }
0x80: {  	_ =	shalt  }
0x81: {  	_ =	shalt  }
0x82: {  	_ =	shalt  }
0x83: {  	_ =	shalt  }
0x84: {  	_ =	shalt  }
0x85: {  	_ =	shalt  }
0x86: {  	_ =	shalt  }
0x87: {  	_ =	shalt  }
.Lfunc_end0:
.L_simem_size_0:
called_computation.2_lowered:
.L_overlay_start_0:
0x88: {  	s2 =	sld [smem:$0x3FD9]  }
0x89: {  	s3 =	sld [smem:$0x3FFE];
	_ =	sdelay $0x1  }
0x8a: {  	s1 =	srdreg.scid  }
0x8b: {  	s0 =	sand.u32 $0x1, s1  }
0x8c: {  	s17 =	sshll.u32 s0, $0xA;
	s2 =	sadd.s32 s3, s2  }
0x8d: {  	s2 =	sadd.s32 s2, s17  }
0x8e: {  	[smem:$0x3FBD] =	sst s2  }
0x8f: {  	_ = 	snop  }
0x90: {  	s2 =	sld [smem:$0x3FC9]  }
0x91: {  	s18 =	sld [smem:$0x3FD0];
	(tm) =	ssettm $0x1  }
0x92: {  	s4 =	sld [smem:$0x3FFB];
	_ =	sdelay $0x3  }
0x93: {  	_ =	strace s4  }
0x94: {  	s4 =	sld [smem:$0x3FFC];
	_ =	sdelay $0x3  }
0x95: {  	_ =	strace s4  }
0x96: {  	s4 =	sld [smem:$0x3FFD];
	_ =	sdelay $0x3  }
0x97: {  	_ =	strace s4  }
0x98: {  	_ =	strace $0x8FFFFFFF  }
0x99: {  	s19 =	sld [smem:$0x3FDB];
	_ =	sdelay $0x1  }
0x9a: {  	s5 =	simm.s32 $_scs_section_size  }
0x9b: {  	s6 =	simm.s32 $_size__tile_overlayer_lowered;
	s7 =	simm.s32 $_tile_overlayer_lowered  }
0x9c: {  	s22 =	simm.s32 $0x1BFF;
	s21 =	sshll.u32 s7, $0x1;
	s4 =	sadd.s32 s5, s19  }
0x9d: {  	s8 =	simm.s32 $0x0;
	s20 =	sshll.u32 s6, $0x1;
	s6 =	sadd.s32 s21, s4  }
0x9e: {  	[timem:s8], [sflag:s22] =	dma.local [hbm:s6], s20  }
0x9f: {  	_ =	swait.ge [sflag:s22], s20  }
0xa0: {  	s5 =	ssub.s32 $0x0, s20;
	[sflag:s22] =	ssyncset.done $0x0  }
0xa1: {  	[sflag:s22] =	ssyncadd.s32 s5;
	_ =	sdelay $0x1  }
0xa2: {  	s23 =	simm.s32 $0x1B8B  }
0xa3: {  	_ =	swait.ge [sflag:s23], $0x1  }
0xa4: {  	[sflag:s23] =	ssyncset.done $0x0  }
0xa5: {  	s25 =	simm.s32 $0x1B8E;
	s24 =	sld [smem:$0x3FFE];
	[sflag:s23] =	ssyncadd.s32 $0xFFFFFFFF  }
0xa6: {  	s26 =	simm.s32 $execute0_lowered;
	[smem:$0x3FD2] =	sst s25  }
0xa7: {  	s6 =	sshll.u32 s26, $0x1;
	_ =	strace $0x80000046;
	[dreg:$0x1] =	wrdreg $0xFFFFFFFF  }
0xa8: {  	s28 =	simm.s32 $_size_execute0_lowered;
	s4 =	sadd.s32 s4, s6;
	[dreg:$0x0] =	wrdreg $0x0  }
0xa9: {  	s6 =	sshll.u32 s28, $0x1;
	[dreg:$0x2] =	wrdreg s4  }
0xaa: {  	[dreg:$0x3] =	wrdreg s6  }
0xab: {  	[dreg:$0x4] =	wrdreg $0xC0  }
0xac: {  	_ =	task [dreg:s8], $0x5FFFF  }
0xad: {  	[dreg:$0x1] =	wrdreg $0xFFFFFFFF  }
0xae: {  	[dreg:$0x0] =	wrdreg $0x60  }
0xaf: {  	[dreg:$0x2] =	wrdreg s2  }
0xb0: {  	[dreg:$0x3] =	wrdreg s18  }
0xb1: {  	[dreg:$0x4] =	wrdreg s24  }
0xb2: {  	[dreg:$0x5] =	wrdreg $0xA  }
0xb3: {  	_ =	task.clear_ibuf [dreg:s8], $0x6FFFF;
	_ =	strace $0x90000046  }
0xb4: {  	s29 =	simm.s32 $0xA;
	_ =	strace $0x80000048  }
0xb5: {  	_ =	swait.ge [sflag:s29], $0x1  }
0xb6: {  	[sflag:s29] =	ssyncadd.s32 $0xFFFFFFFF  }
0xb7: {  	_ =	strace $0x90000048  }
0xb8: {  	_ =	sfence  }
0xb9: {  	s30 =	sld [smem:$0x0];
	_ =	sdelay $0x2  }
0xba: {  	s31 =	sshll.u32 s1, $0xD;
	s1 =	sshrl.u32 s1, $0x2  }
0xbb: {  	s3 =	sand.u32 $0x4000, s31;
	s1 =	sadd.s32 s1, s30  }
0xbc: {  	s0 =	sor.u32 s3, s0;
	s1 =	sshll.u32 s1, $0x11  }
0xbd: {  	s0 =	sor.u32 s1, s0  }
0xbe: {  	s0 =	sadd.s32 $0x8F2B, s0  }
0xbf: {  	[sflag:s0] =	ssyncadd.remote.s32 $0x1  }
0xc0: {  	_ =	sfence.sel $0xFFFF  }
0xc1: {  	[dreg:$0x0] =	wrdreg $0xFFFFFFFF;
	(pc) =	sbr.abs _section_cstart, $3  }
0xc2: {  	[dreg:$0x1] =	wrdreg $0xFFFFFFFF  }
0xc3: {  	_ =	task.clear_ibuf [dreg:s8], $0x2FFFF;
	_ =	strace $0x9FFFFFFF  }
0xc4: {  	(tm) =	ssettm $0x7FFFFFFF  }
0xc5: {  	_ =	shalt  }
tec
execute0_lowered:
.L_overlay_start_1:
0x0: {  	(tag) =	ssettag $0x1  }
0x1: {  	s1 =	rddreg [dreg:$0x0]  }
0x2: {  	s6 =	rddreg [dreg:$0x1];
	s2 =	srdreg.scid  }
0x3: {  	s0 =	stileid.u32;
	s4 =	rddreg [dreg:$0x2];
	s3 =	simm.s32 $0x0  }
0x4: {  	s17 =	simm.s32 $0x5400;
	s18 =	simm.s32 $0x2;
	s19 =	simm.s32 $0x3  }
0x5: {  	s20 =	simm.s32 $0x100;
	s21 =	simm.s32 $0x4;
	s13 =	smul.u32 $0x138800, s0  }
0x6: {  	s22 =	simm.s32 $0x8;
	s10 =	sand.u32 $0x1, s2;
	s15 =	smul.u32 $0x27100, s0  }
0x7: {  	s23 =	simm.s32 $0x1380;
	s5 =	sshll.u32 s0, $0x1;
	s14 =	smul.u32 $0x9C400, s10  }
0x8: {  	s2 =	rddreg [dreg:$0x3];
	s5 =	sor.u32 s10, s5;
	s16 =	smul.u32 $0x13880, s10  }
0x9: {  	s24 =	simm.s32 $0x0;
	[smem:$0x7FF] =	sst s3;
	s7 =	smul.u32 $0x1388, s5  }
0xa: {  	s4 =	sadd.s32 $0xB600, s4;
	s8 =	ssub.s32 $0x2, s10;
	s9 =	smul.u32 $0x9C400, s5  }
0xb: {  	_ =	strace $0x80000047;
	s11 =	sshrl.u32 s8, $0x1;
	s12 =	smul.u32 $0x13880, s5  }
0xc: {  	s31 =	sadd.s32 s15, s4;
	s15 =	simm.s32 $0x1400;
	s11 =	ssub.s32 s8, s11  }
0xd: {  	s30 =	sadd.s32 s14, s13;
	s13 =	simm.s32 $0x5;
	s14 =	simm.s32 $0x80  }
0xe: {  	s28 =	sshrl.u32 s9, $0x3;
	s7 =	sshrl.u32 s7, $0x3;
	s9 =	smax.u32 s11, $0x1  }
0xf: {  	s29 =	sadd.s32 s4, s12;
	s11 =	sadd.s32 $0x8000, s30;
	s12 =	sadd.s32 s16, s31  }
0x10: {  	s16 =	simm.s32 $0x1;
	s5 =	sadd.s32 s4, s28;
	s6 =	sadd.s32 s6, s7  }
0x11: {  	s10 =	sadd.s32 $0x800, s29;
	s7 =	sadd.s32 $0x13000, s5;
	s8 =	sadd.s32 $0x13800, s5  }
.LBB2_1:
0x12: {  	[tilespmem:s3], [sflag:$0x5] =	stream.linear.gather [hbm4b:s6+s3], $0x1388, $0x38;
	[tilespmem:$0x9400] =	vst v63  }
0x13: {  	_ =	swait.ge [sflag:s13], $0x1388  }
0x14: {  	[sflag:s13] =	ssyncset.done $0x0  }
0x15: {  	[sflag:s13] =	ssyncadd.s32 $0xFFFFEC78  }
0x16: {  	[tilespmem:s15], [sflag:$0x1] =	stream.indirect.gather [hbm4b:s1+s14], $0x80, s3, s14, $0xb8;
	[tilespmem:$0x9400] =	vst v63  }
0x17: {  	_ =	swait.ge [sflag:s16], $0x4000  }
0x18: {  	[sflag:s16] =	ssyncset.done $0x0  }
0x19: {  	[sflag:s16] =	ssyncadd.s32 $0xFFFFC000  }
0x1a: {  	[hbm4b:s5+s3] =	stream.linear.scatter [tilespmem:s15], [sflag:$0x3], $0x4000, $0x38;
	[tilespmem:$0x9400] =	vst v63  }
0x1b: {  	_ = 	snop  }
0x1c: {  	[tilespmem:s17], [sflag:$0x2] =	stream.indirect.gather [hbm4b:s1+s14], $0x80, s14, s14, $0xb8;
	[tilespmem:$0x9400] =	vst v63  }
0x1d: {  	_ =	swait.ge [sflag:s18], $0x4000  }
0x1e: {  	[sflag:s18] =	ssyncset.done $0x0  }
0x1f: {  	[sflag:s18] =	ssyncadd.s32 $0xFFFFC000  }
0x20: {  	[hbm4b:s10+s3] =	stream.linear.scatter [tilespmem:s17], [sflag:$0x4], $0x4000, $0x38;
	[tilespmem:$0x9400] =	vst v63  }
0x21: {  	_ =	swait.ge [sflag:s19], $0x4000  }
0x22: {  	[sflag:s19] =	ssyncset.done $0x0  }
0x23: {  	[sflag:s19] =	ssyncadd.s32 $0xFFFFC000  }
0x24: {  	[tilespmem:s15], [sflag:$0x1] =	stream.indirect.gather [hbm4b:s1+s14], $0x80, s20, s14, $0xb8;
	[tilespmem:$0x9400] =	vst v63  }
0x25: {  	_ =	swait.ge [sflag:s16], $0x4000  }
0x26: {  	s25 =	sshrl.u32 s11, $0x3;
	[sflag:s16] =	ssyncset.done $0x0  }
0x27: {  	s25 =	sadd.s32 s4, s25;
	[sflag:s16] =	ssyncadd.s32 $0xFFFFC000  }
0x28: {  	[hbm4b:s25+s3] =	stream.linear.scatter [tilespmem:s15], [sflag:$0x3], $0x4000, $0x38;
	[tilespmem:$0x9400] =	vst v63  }
0x29: {  	_ =	swait.ge [sflag:s21], $0x4000  }
0x2a: {  	[sflag:s21] =	ssyncset.done $0x0  }
0x2b: {  	s30 =	simm.s32 $0x180;
	[sflag:s21] =	ssyncadd.s32 $0xFFFFC000  }
0x2c: {  	[tilespmem:s17], [sflag:$0x2] =	stream.indirect.gather [hbm4b:s1+s14], $0x80, s30, s14, $0xb8;
	[tilespmem:$0x9400] =	vst v63  }
0x2d: {  	_ =	swait.ge [sflag:s18], $0x4000  }
0x2e: {  	[sflag:s18] =	ssyncset.done $0x0  }
0x2f: {  	s31 =	sadd.s32 $0x1800, s12;
	[sflag:s18] =	ssyncadd.s32 $0xFFFFC000  }
0x30: {  	[hbm4b:s31+s3] =	stream.linear.scatter [tilespmem:s17], [sflag:$0x4], $0x4000, $0x38;
	[tilespmem:$0x9400] =	vst v63  }
0x31: {  	_ =	swait.ge [sflag:s19], $0x4000  }
0x32: {  	s26 =	simm.s32 $0x2800;
	s28 =	sadd.s32 $0x8000, s11;
	[sflag:s19] =	ssyncset.done $0x0  }
0x33: {  	s29 =	simm.s32 $0x300;
	s25 =	simm.s32 $0x200;
	[sflag:s19] =	ssyncadd.s32 $0xFFFFC000  }
.LBB2_2:
0x34: {  	[tilespmem:s15], [sflag:$0x1] =	stream.indirect.gather [hbm4b:s1+s14], $0x80, s25, s14, $0xb8;
	[tilespmem:$0x9400] =	vst v63  }
0x35: {  	s30 =	smov.u32 s26;
	s25 =	smov.u32 s29  }
0x36: {  	p0 =	sne.s32 s26, $0x12800;
	s26 =	sadd.s32 $0x1000, s26;
	_ =	swait.ge [sflag:s16], $0x4000  }
0x37: {  	s31 =	sshrl.u32 s28, $0x3;
	[sflag:s16] =	ssyncset.done $0x0  }
0x38: {  	s31 =	sadd.s32 s4, s31;
	[sflag:s16] =	ssyncadd.s32 $0xFFFFC000  }
0x39: {  	[hbm4b:s31+s3] =	stream.linear.scatter [tilespmem:s15], [sflag:$0x3], $0x4000, $0x38;
	[tilespmem:$0x9400] =	vst v63  }
0x3a: {  	_ =	swait.ge [sflag:s21], $0x4000  }
0x3b: {  	[sflag:s21] =	ssyncset.done $0x0  }
0x3c: {  	s31 =	sadd.s32 $0xFFFFFF80, s29;
	[sflag:s21] =	ssyncadd.s32 $0xFFFFC000  }
0x3d: {  	[tilespmem:s17], [sflag:$0x2] =	stream.indirect.gather [hbm4b:s1+s14], $0x80, s31, s14, $0xb8;
	[tilespmem:$0x9400] =	vst v63  }
0x3e: {  	_ =	swait.ge [sflag:s18], $0x4000  }
0x3f: {  	[sflag:s18] =	ssyncset.done $0x0  }
.Ltmp0:
0x40: {  	s30 =	sadd.s32 s30, s12;
	[sflag:s18] =	ssyncadd.s32 $0xFFFFC000;
	(pc) =	sbr.rel @p0 .LBB2_2-.Ltmp0, $4  }
0x41: {  	[hbm4b:s30+s3] =	stream.linear.scatter [tilespmem:s17], [sflag:$0x4], $0x4000, $0x38;
	[tilespmem:$0x9400] =	vst v63  }
0x42: {  	_ =	swait.ge [sflag:s19], $0x4000  }
0x43: {  	[sflag:s19] =	ssyncset.done $0x0  }
0x44: {  	s28 =	sadd.s32 $0x8000, s28;
	s29 =	sadd.s32 $0x100, s29;
	[sflag:s19] =	ssyncadd.s32 $0xFFFFC000  }
0x45: {  	[tilespmem:s15], [sflag:$0x1] =	stream.indirect.gather [hbm4b:s1+s14], $0x80, s25, s14, $0xb8;
	[tilespmem:$0x9400] =	vst v63  }
0x46: {  	_ =	swait.ge [sflag:s16], $0x4000  }
0x47: {  	[sflag:s16] =	ssyncset.done $0x0  }
0x48: {  	[sflag:s16] =	ssyncadd.s32 $0xFFFFC000  }
0x49: {  	[hbm4b:s7+s3] =	stream.linear.scatter [tilespmem:s15], [sflag:$0x3], $0x4000, $0x38;
	[tilespmem:$0x9400] =	vst v63  }
0x4a: {  	_ =	swait.ge [sflag:s21], $0x4000  }
0x4b: {  	[sflag:s21] =	ssyncset.done $0x0  }
0x4c: {  	[sflag:s21] =	ssyncadd.s32 $0xFFFFC000  }
0x4d: {  	[tilespmem:s17], [sflag:$0x2] =	stream.indirect.gather [hbm4b:s1+s22], $0x80, s23, s22, $0xb8;
	[tilespmem:$0x9400] =	vst v63  }
0x4e: {  	_ =	swait.ge [sflag:s18], $0x400  }
0x4f: {  	[sflag:s18] =	ssyncset.done $0x0  }
0x50: {  	s24 =	sadd.s32 $0x1, s24;
	[sflag:s18] =	ssyncadd.s32 $0xFFFFFC00  }
0x51: {  	[hbm4b:s8+s3] =	stream.linear.scatter [tilespmem:s17], [sflag:$0x4], $0x400, $0x38;
	[tilespmem:$0x9400] =	vst v63  }
0x52: {  	p0 =	sne.s32 s24, s9;
	_ =	swait.ge [sflag:s19], $0x4000  }
.Ltmp1:
0x53: {  	[sflag:s19] =	ssyncset.done $0x0;
	(pc) =	sbr.rel @p0 .LBB2_1-.Ltmp1, $4  }
0x54: {  	[sflag:s19] =	ssyncadd.s32 $0xFFFFC000  }
0x55: {  	_ =	swait.ge [sflag:s21], $0x400  }
0x56: {  	[sflag:s21] =	ssyncset.done $0x0  }
0x57: {  	[sflag:s21] =	ssyncadd.s32 $0xFFFFFC00  }
0x58: {  	_ =	sfence.sel $0x180000  }
0x59: {  	[bflag:$0x0] =	sbarrier.arrive $0xFFFF  }
0x5a: {  	p0 =	sne.s32 s0, $0x0;
	_ =	strace $0x90000047  }
0x5b: {  	s0 =	sadd.s32 @!p0 $0x100000, s2;
	[bflag:$0x2] =	sbarrier.arrive $0xFFFF  }
0x5c: {  	[sflag:s0] =	ssyncadd.tile.s32 @!p0 $0x1;
	_ =	shalt  }
.Lfunc_end2:
_tile_overlayer_lowered:
.L_overlay_start_2:
0x5d: {  	(tag) =	ssettag $0x2  }
0x5e: {  	s0 =	rddreg [dreg:$0x0];
	s2 =	stileid.u32  }
0x5f: {  	s1 =	rddreg [dreg:$0x1];
	p0 =	sne.s32 s2, $0x0  }
0x60: {  	s3 =	rddreg [dreg:$0x2];
	[bflag:$0x3] =	sbarrier.arrive $0xFFFF;
	s2 =	simm.s32 @!p0 $0x1C05  }
0x61: {  	[timem:s3], [sflag:s2] =	dma.local @!p0 [hbm:s0], s1  }
0x62: {  	s0 =	simm.s32 @!p0 $0x5  }
0x63: {  	_ =	swait.ge @!p0 [sflag:s0], s1  }
0x64: {  	s1 =	ssub.s32 @!p0 $0x0, s1;
	[sflag:s0] =	ssyncset.done @!p0 $0x0  }
0x65: {  	[sflag:s0] =	ssyncadd.s32 @!p0 s1  }
0x66: {  	[bflag:$0x3] =	sbarrier.arrive $0xFFFF  }
0x67: {  	_ =	shalt  }

// kernel: kernel.18.cloned.1.call-start
scs
__scs_entry_jumppad:
0x0: {  	(pc) =	sbr.rel $0x88, $3  }
0x1: {  	(tag) =	ssettag $0x0;
	lr =	simm.s32 $0x1  }
0x2: {  	[smem:$0x3F96] =	sst lr;
	_ =	strace $0xD0000000  }
0x3: {  	_ = 	snop  }
0x4: {  	_ = 	snop  }
0x5: {  	_ = 	snop  }
0x6: {  	_ = 	snop  }
0x7: {  	_ = 	snop  }
__scs_overlays_trampoline_lowered:
0x8: {  	[smem:$0x3FA5] =	sst s0  }
0x9: {  	[smem:$0x3FA6] =	sst s1  }
0xa: {  	[smem:$0x3FA7] =	sst s2  }
0xb: {  	[smem:$0x3FA8] =	sst s3  }
0xc: {  	[smem:$0x3FA9] =	sst s4  }
0xd: {  	[smem:$0x3FAA] =	sst s5  }
0xe: {  	[smem:$0x3FAB] =	sst s6  }
0xf: {  	[smem:$0x3FAC] =	sst s7  }
0x10: {  	[smem:$0x3FAD] =	sst s8  }
0x11: {  	[smem:$0x3FAE] =	sst s9;
	s0 =	simm.s32 @!p0 $0x0  }
0x12: {  	s1 =	sld [smem:$0x3F94];
	s0 =	simm.s32 @p0 $0x1  }
0x13: {  	[smem:$0x3FAF] =	sst s0;
	s0 =	simm.s32 @!p1 $0x0  }
0x14: {  	s2 =	sld [smem:$0x3F93];
	s0 =	simm.s32 @p1 $0x1  }
0x15: {  	[smem:$0x3FB0] =	sst s0;
	s0 =	simm.s32 @!p2 $0x0  }
0x16: {  	s3 =	sld [smem:$0x3FDB];
	s0 =	simm.s32 @p2 $0x1  }
0x17: {  	s4 =	simm.s32 $0x1BF5;
	[smem:$0x3FB2] =	sst s0  }
0x18: {  	s0 =	sld [smem:$0x3F95];
	_ =	swait.ge [sflag:s4], $0x0  }
0x19: {  	s7 =	sld [smem:$0x3F96]  }
0x1a: {  	s8 =	sadd.s32 $0xFFFFE003, lr  }
0x1b: {  	s9 =	sadd.s32 $0xFFFFFEF7, lr;
	s5 =	simm.s32 $0xFFFFFFFF;
	p2 =	slt.u32 s8, $0xFFFFF086  }
0x1c: {  	p1 =	slt.u32 s9, $0xF7A;
	s5 =	simm.s32 @!p2 $0x0  }
0x1d: {  	s5 =	simm.s32 @p1 $0x1;
	p0 =	seq.s32 s7, s2  }
0x1e: {  	s7 =	smul.u32 @!p0 $0xF7A, s2;
	p2 =	seq.s32 @!p0 s5, $0x0  }
0x1f: {  	s9 =	smul.u32 $0xF7A, s1;
	s8 =	simm.s32 @!p0 $0x1BF5;
	p2 =	por !p2, p0  }
0x20: {  	[sflag:s8] =	ssyncset.s32 @!p0 $0xFFFFF086;
	s6 =	sadd.s32 @!p0 s3, s7;
	s7 =	simm.s32 @!p0 $0x108  }
0x21: {  	s3 =	sadd.s32 s3, s9;
	s6 =	sadd.s32 @!p0 $0x88, s6;
	s7 =	simm.s32 @p2 $0x1082  }
0x22: {  	[simem:s7], [sflag:s8] =	dma.local @!p0 [hbm:s6], $0xF7A  }
0x23: {  	s9 =	sor.u32 $0xD0000000, s2;
	s6 =	simm.s32 $0x108;
	_ =	swait.ge @!p0 [sflag:s8], $0x0  }
0x24: {  	s3 =	sadd.s32 $0x88, s3;
	s6 =	simm.s32 @!p1 $0x1082;
	[sflag:s4] =	ssyncset.s32 $0xFFFFF086  }
0x25: {  	[simem:s6], [sflag:s4] =	dma.local [hbm:s3], $0xF7A  }
0x26: {  	[smem:$0x3F96] =	sst s1;
	(tag) =	ssettag s2;
	_ =	strace s9  }
0x27: {  	s1 =	sld [smem:$0x3FA6]  }
0x28: {  	s2 =	sld [smem:$0x3FA7]  }
0x29: {  	s4 =	sld [smem:$0x3FA9]  }
0x2a: {  	p0 =	seq.s32 s5, $0x0;
	s5 =	sld [smem:$0x3FAA]  }
0x2b: {  	s6 =	sld [smem:$0x3FAB]  }
0x2c: {  	s7 =	sld [smem:$0x3FAC]  }
0x2d: {  	s3 =	simm.s32 $0x108;
	s8 =	sld [smem:$0x3FAD]  }
0x2e: {  	s3 =	simm.s32 @!p0 $0x1082;
	s9 =	sld [smem:$0x3FAE]  }
0x2f: {  	lr =	sadd.s32 s0, s3;
	s0 =	sld [smem:$0x3FA5]  }
0x30: {  	s3 =	sld [smem:$0x3FA8]  }
0x31: {  	[smem:$0x3FB1] =	sst s10  }
0x32: {  	s10 =	sld [smem:$0x3FAF];
	_ =	sdelay $0x3  }
0x33: {  	p0 =	seq.s32 s10, $0x1;
	s10 =	sld [smem:$0x3FB1];
	_ =	sdelay $0x3  }
0x34: {  	[smem:$0x3FB1] =	sst s10  }
0x35: {  	s10 =	sld [smem:$0x3FB0];
	_ =	sdelay $0x3  }
0x36: {  	p1 =	seq.s32 s10, $0x1;
	s10 =	sld [smem:$0x3FB1];
	_ =	sdelay $0x3  }
0x37: {  	[smem:$0x3FB1] =	sst s10  }
0x38: {  	s10 =	sld [smem:$0x3FB2]  }
0x39: {  	_ = 	snop;
	(pc) =	sbr.ind lr, $3  }
0x3a: {  	_ = 	snop  }
0x3b: {  	_ = 	snop  }
0x3c: {  	p2 =	seq.s32 s10, $0x1;
	s10 =	sld [smem:$0x3FB1]  }
0x3d: {  	_ =	shalt  }
0x3e: {  	_ =	shalt  }
0x3f: {  	_ =	shalt  }
0x40: {  	_ =	shalt  }
0x41: {  	_ =	shalt  }
0x42: {  	_ =	shalt  }
0x43: {  	_ =	shalt  }
0x44: {  	_ =	shalt  }
0x45: {  	_ =	shalt  }
0x46: {  	_ =	shalt  }
0x47: {  	_ =	shalt  }
0x48: {  	_ =	shalt  }
0x49: {  	_ =	shalt  }
0x4a: {  	_ =	shalt  }
0x4b: {  	_ =	shalt  }
0x4c: {  	_ =	shalt  }
0x4d: {  	_ =	shalt  }
0x4e: {  	_ =	shalt  }
0x4f: {  	_ =	shalt  }
0x50: {  	_ =	shalt  }
0x51: {  	_ =	shalt  }
0x52: {  	_ =	shalt  }
0x53: {  	_ =	shalt  }
0x54: {  	_ =	shalt  }
0x55: {  	_ =	shalt  }
0x56: {  	_ =	shalt  }
0x57: {  	_ =	shalt  }
0x58: {  	_ =	shalt  }
0x59: {  	_ =	shalt  }
0x5a: {  	_ =	shalt  }
0x5b: {  	_ =	shalt  }
0x5c: {  	_ =	shalt  }
0x5d: {  	_ =	shalt  }
0x5e: {  	_ =	shalt  }
0x5f: {  	_ =	shalt  }
0x60: {  	_ =	shalt  }
0x61: {  	_ =	shalt  }
0x62: {  	_ =	shalt  }
0x63: {  	_ =	shalt  }
0x64: {  	_ =	shalt  }
0x65: {  	_ =	shalt  }
0x66: {  	_ =	shalt  }
0x67: {  	_ =	shalt  }
0x68: {  	_ =	shalt  }
0x69: {  	_ =	shalt  }
0x6a: {  	_ =	shalt  }
0x6b: {  	_ =	shalt  }
0x6c: {  	_ =	shalt  }
0x6d: {  	_ =	shalt  }
0x6e: {  	_ =	shalt  }
0x6f: {  	_ =	shalt  }
0x70: {  	_ =	shalt  }
0x71: {  	_ =	shalt  }
0x72: {  	_ =	shalt  }
0x73: {  	_ =	shalt  }
0x74: {  	_ =	shalt  }
0x75: {  	_ =	shalt  }
0x76: {  	_ =	shalt  }
0x77: {  	_ =	shalt  }
0x78: {  	_ =	shalt  }
0x79: {  	_ =	shalt  }
0x7a: {  	_ =	shalt  }
0x7b: {  	_ =	shalt  }
0x7c: {  	_ =	shalt  }
0x7d: {  	_ =	shalt  }
0x7e: {  	_ =	shalt  }
0x7f: {  	_ =	shalt  }
0x80: {  	_ =	shalt  }
0x81: {  	_ =	shalt  }
0x82: {  	_ =	shalt  }
0x83: {  	_ =	shalt  }
0x84: {  	_ =	shalt  }
0x85: {  	_ =	shalt  }
0x86: {  	_ =	shalt  }
0x87: {  	_ =	shalt  }
.Lfunc_end0:
.L_simem_size_0:
called_computation.3_lowered:
.L_overlay_start_0:
0x88: {  	s2 =	sld [smem:$0x3FD9]  }
0x89: {  	s3 =	sld [smem:$0x3FFE];
	_ =	sdelay $0x1  }
0x8a: {  	s1 =	srdreg.scid  }
0x8b: {  	s0 =	sand.u32 $0x1, s1  }
0x8c: {  	s17 =	sshll.u32 s0, $0xA;
	s2 =	sadd.s32 s3, s2  }
0x8d: {  	s2 =	sadd.s32 s2, s17  }
0x8e: {  	[smem:$0x3FBD] =	sst s2  }
0x8f: {  	_ = 	snop  }
0x90: {  	(tm) =	ssettm $0x1  }
0x91: {  	s18 =	sld [smem:$0x3FFB];
	_ =	sdelay $0x3  }
0x92: {  	_ =	strace s18  }
0x93: {  	s2 =	sld [smem:$0x3FFC];
	_ =	sdelay $0x3  }
0x94: {  	_ =	strace s2  }
0x95: {  	s2 =	sld [smem:$0x3FFD];
	_ =	sdelay $0x3  }
0x96: {  	_ =	strace s2  }
0x97: {  	_ =	strace $0x8FFFFFFF  }
0x98: {  	s19 =	sld [smem:$0x3FDB];
	_ =	sdelay $0x1  }
0x99: {  	s20 =	simm.s32 $_scs_section_size  }
0x9a: {  	s4 =	simm.s32 $_size__tile_overlayer_lowered;
	s5 =	simm.s32 $_tile_overlayer_lowered  }
0x9b: {  	s6 =	simm.s32 $0x1BFF;
	s21 =	sshll.u32 s5, $0x1;
	s3 =	sadd.s32 s20, s19  }
0x9c: {  	s22 =	simm.s32 $0x0;
	s4 =	sshll.u32 s4, $0x1;
	s5 =	sadd.s32 s21, s3  }
0x9d: {  	[timem:s22], [sflag:s6] =	dma.local [hbm:s5], s4  }
0x9e: {  	_ =	swait.ge [sflag:s6], s4  }
0x9f: {  	s4 =	ssub.s32 $0x0, s4;
	[sflag:s6] =	ssyncset.done $0x0  }
0xa0: {  	[sflag:s6] =	ssyncadd.s32 s4;
	_ =	sdelay $0x1  }
0xa1: {  	s23 =	simm.s32 $0x1B8B  }
0xa2: {  	_ =	swait.ge [sflag:s23], $0x1  }
0xa3: {  	[sflag:s23] =	ssyncset.done $0x0  }
0xa4: {  	[sflag:s23] =	ssyncadd.s32 $0xFFFFFFFF  }
0xa5: {  	s4 =	sld [smem:$0x0]  }
0xa6: {  	s5 =	sand.u32 $0xFFFFFFFE, s1  }
0xa7: {  	p0 =	sne.s32 s1, s5  }
0xa8: {  	s5 =	sshll.u32 @p0 s5, $0xE  }
0xa9: {  	s5 =	sadd.s32 @p0 $0x11B8D, s5;
	s6 =	sshll.u32 @p0 s4, $0x11  }
0xaa: {  	s5 =	sor.u32 @p0 s6, s5  }
0xab: {  	[sflag:s5] =	ssyncadd.remote.s32 @p0 $0x1;
	_ =	sdelay $0x1  }
0xac: {  	s5 =	simm.s32 @p0 $0x1B8D  }
0xad: {  	_ =	swait.eq @p0 [sflag:s5], $0x1  }
0xae: {  	[sflag:s5] =	ssyncadd.s32 @p0 $0xFFFFFFFF  }
0xaf: {  	s6 =	sshll.u32 @!p0 s1, $0xE  }
0xb0: {  	s6 =	sor.u32 @!p0 $0x4000, s6;
	s5 =	simm.s32 @!p0 $0x1B8D  }
0xb1: {  	s4 =	sshll.u32 @!p0 s4, $0x11;
	s6 =	sadd.s32 @!p0 $0x11B8D, s6;
	_ =	swait.eq @!p0 [sflag:s5], $0x1  }
0xb2: {  	s4 =	sor.u32 @!p0 s4, s6;
	[sflag:s5] =	ssyncadd.s32 @!p0 $0xFFFFFFFF  }
0xb3: {  	s25 =	simm.s32 $0x1B8E;
	s24 =	sld [smem:$0x3FFE];
	[sflag:s4] =	ssyncadd.remote.s32 @!p0 $0x1  }
0xb4: {  	s26 =	simm.s32 $execute0_lowered;
	[smem:$0x3FD2] =	sst s25  }
0xb5: {  	s5 =	sshll.u32 s26, $0x1;
	_ =	strace $0x8000004C;
	[dreg:$0x1] =	wrdreg $0xFFFFFFFF  }
0xb6: {  	s28 =	simm.s32 $_size_execute0_lowered;
	s3 =	sadd.s32 s3, s5;
	[dreg:$0x0] =	wrdreg $0x0  }
0xb7: {  	s5 =	sshll.u32 s28, $0x1;
	[dreg:$0x2] =	wrdreg s3  }
0xb8: {  	[dreg:$0x3] =	wrdreg s5  }
0xb9: {  	[dreg:$0x4] =	wrdreg $0xC0  }
0xba: {  	_ =	task [dreg:s22], $0x5FFFF  }
0xbb: {  	[dreg:$0x1] =	wrdreg $0xFFFFFFFF  }
0xbc: {  	[dreg:$0x0] =	wrdreg $0x60  }
0xbd: {  	[dreg:$0x2] =	wrdreg s24  }
0xbe: {  	[dreg:$0x3] =	wrdreg $0x8C000  }
0xbf: {  	[dreg:$0x4] =	wrdreg $0xA  }
0xc0: {  	_ =	task.clear_ibuf [dreg:s22], $0x5FFFF;
	_ =	strace $0x9000004C  }
0xc1: {  	s29 =	simm.s32 $0xA;
	_ =	strace $0x8000004E  }
0xc2: {  	_ =	swait.ge [sflag:s29], $0x1  }
0xc3: {  	[sflag:s29] =	ssyncadd.s32 $0xFFFFFFFF  }
0xc4: {  	_ =	strace $0x9000004E  }
0xc5: {  	_ =	sfence  }
0xc6: {  	s30 =	sld [smem:$0x0];
	_ =	sdelay $0x2  }
0xc7: {  	s31 =	sshll.u32 s1, $0xD;
	s1 =	sshrl.u32 s1, $0x2  }
0xc8: {  	s4 =	sand.u32 $0x4000, s31;
	s1 =	sadd.s32 s1, s30  }
0xc9: {  	s0 =	sor.u32 s4, s0;
	s1 =	sshll.u32 s1, $0x11  }
0xca: {  	s0 =	sor.u32 s1, s0  }
0xcb: {  	s0 =	sadd.s32 $0x8F2B, s0  }
0xcc: {  	[sflag:s0] =	ssyncadd.remote.s32 $0x1  }
0xcd: {  	_ =	sfence.sel $0xFFFF  }
0xce: {  	[dreg:$0x0] =	wrdreg $0xFFFFFFFF;
	(pc) =	sbr.abs _section_cstart, $3  }
0xcf: {  	[dreg:$0x1] =	wrdreg $0xFFFFFFFF  }
0xd0: {  	_ =	task.clear_ibuf [dreg:s22], $0x2FFFF;
	_ =	strace $0x9FFFFFFF  }
0xd1: {  	(tm) =	ssettm $0x7FFFFFFF  }
tec
execute0_lowered:
.L_overlay_start_1:
0x0: {  	(tag) =	ssettag $0x1  }
0x1: {  	s1 =	srdreg.scid  }
0x2: {  	s0 =	stileid.u32;
	s5 =	rddreg [dreg:$0x0]  }
0x3: {  	s2 =	rddreg [dreg:$0x1];
	s3 =	simm.s32 $0x0;
	s16 =	simm.s32 $0x4C00  }
0x4: {  	s17 =	simm.s32 $0x80;
	s18 =	simm.s32 $0x2;
	s19 =	simm.s32 $0x900  }
0x5: {  	s20 =	simm.s32 $0x980;
	s21 =	simm.s32 $0x0;
	s6 =	sand.u32 $0x1, s1  }
0x6: {  	s25 =	sshll.u32 s0, $0x1;
	s1 =	rddreg [dreg:$0x2];
	s9 =	smul.u32 $0x14000, s0  }
0x7: {  	[smem:$0x7FF] =	sst s3;
	s10 =	sadd.s32 $0x625E00, s5;
	s14 =	smul.u32 $0x50000, s0  }
0x8: {  	s30 =	sshll.u32 s0, $0x6;
	s7 =	sor.u32 s6, s25;
	s8 =	smul.u32 $0x140000, s6  }
0x9: {  	_ =	strace $0x8000004D;
	s28 =	ssub.s32 $0x2, s6;
	s15 =	smul.u32 $0xA000, s6  }
0xa: {  	s4 =	smul.u32 $0x180, s7;
	s13 =	sshrl.u32 s28, $0x1;
	s29 =	sshrl.u32 s14, $0x2  }
0xb: {  	s7 =	smul.u32 $0xA000, s7;
	s26 =	sadd.s32 s9, s8;
	s13 =	ssub.s32 s28, s13  }
0xc: {  	s14 =	sadd.s32 s29, s2;
	s11 =	sadd.s32 s4, s5;
	s12 =	sshrl.u32 s26, $0x3  }
0xd: {  	s4 =	sadd.s32 $0x4ED600, s5;
	s7 =	sadd.s32 s10, s7;
	s10 =	sadd.s32 s9, s10  }
0xe: {  	s9 =	smax.u32 s13, $0x1;
	s13 =	simm.s32 $0x3;
	s12 =	sadd.s32 s12, s5  }
0xf: {  	s5 =	sor.u32 $0x1C03, s30;
	s6 =	sadd.s32 $0x1600, s11;
	s31 =	sadd.s32 s15, s10  }
0x10: {  	s10 =	sadd.s32 $0x9800, s7;
	s15 =	simm.s32 $0x1;
	s8 =	sadd.s32 $0x4EFE00, s12  }
0x11: {  	s11 =	sadd.s32 $0x1000, s31;
	s12 =	sshrl.u32 s14, $0x3;
	s14 =	simm.s32 $0xC00  }
.LBB2_1:
0x12: {  	[spmem:s12], [sflag:s5] =	dma.local [hbm:s4], $0x2800  }
0x13: {  	_ =	swait.ge [sflag:s13], $0x2800  }
0x14: {  	[sflag:s13] =	ssyncset.done $0x0  }
0x15: {  	[sflag:s13] =	ssyncadd.s32 $0xFFFFD800  }
0x16: {  	[tilespmem:s3], [sflag:$0x3] =	stream.linear.gather [hbm4b:s6+s3], $0xA00, $0x38;
	[tilespmem:$0x1CC00] =	vst v63  }
0x17: {  	_ =	swait.ge [sflag:s13], $0xA00  }
0x18: {  	[sflag:s13] =	ssyncset.done $0x0  }
0x19: {  	[sflag:s13] =	ssyncadd.s32 $0xFFFFF600  }
0x1a: {  	[bflag:$0x0] =	sbarrier.arrive $0xFFFF  }
0x1b: {  	[tilespmem:s14], [sflag:$0x1] =	stream.linear.gather [hbm4b:s7+s3], $0x4000, $0x38;
	[tilespmem:$0x1CC00] =	vst v63  }
0x1c: {  	_ =	swait.ge [sflag:s15], $0x4000  }
0x1d: {  	[sflag:s15] =	ssyncset.done $0x0  }
0x1e: {  	s22 =	sadd.s32 $0xFFFFF800, s11;
	[sflag:s15] =	ssyncadd.s32 $0xFFFFC000  }
0x1f: {  	[tilespmem:s16], [sflag:$0x2] =	stream.linear.gather [hbm4b:s22+s3], $0x4000, $0x38;
	[tilespmem:$0x1CC00] =	vst v63  }
0x20: {  	s30 =	simm.s32 $0x0  }
0x21: {  	[spmem:s2] =	stream.indirect.scatter.add.f32 [tilespmem:s14], [sflag:$0x3], $0x80, s30, s17, $0xb8;
	[tilespmem:$0x1CC00] =	vst v63  }
0x22: {  	_ =	swait.ge [sflag:s13], $0x4000  }
0x23: {  	[sflag:s13] =	ssyncset.done $0x0  }
0x24: {  	[sflag:s13] =	ssyncadd.s32 $0xFFFFC000  }
0x25: {  	_ =	swait.ge [sflag:s18], $0x4000  }
0x26: {  	[sflag:s18] =	ssyncset.done $0x0  }
0x27: {  	[sflag:s18] =	ssyncadd.s32 $0xFFFFC000  }
0x28: {  	[tilespmem:s14], [sflag:$0x1] =	stream.linear.gather [hbm4b:s11+s3], $0x4000, $0x38;
	[tilespmem:$0x1CC00] =	vst v63  }
0x29: {  	s31 =	simm.s32 $0x80  }
0x2a: {  	[spmem:s2] =	stream.indirect.scatter.add.f32 [tilespmem:s16], [sflag:$0x3], $0x80, s31, s17, $0xb8;
	[tilespmem:$0x1CC00] =	vst v63  }
0x2b: {  	_ =	swait.ge [sflag:s13], $0x4000  }
0x2c: {  	s23 =	smov.u32 s11;
	s22 =	simm.s32 $0x400;
	[sflag:s13] =	ssyncset.done $0x0  }
.LBB2_2:
0x2d: {  	p0 =	sne.s32 s22, $0x2000;
	[sflag:s13] =	ssyncadd.s32 $0xFFFFC000;
	s23 =	sadd.s32 $0x1000, s23  }
0x2e: {  	s24 =	smov.u32 s22;
	s22 =	sadd.s32 $0x400, s22  }
0x2f: {  	_ =	swait.ge [sflag:s15], $0x4000  }
0x30: {  	[sflag:s15] =	ssyncset.done $0x0  }
0x31: {  	s25 =	sadd.s32 $0xFFFFF800, s23;
	[sflag:s15] =	ssyncadd.s32 $0xFFFFC000  }
0x32: {  	[tilespmem:s16], [sflag:$0x2] =	stream.linear.gather [hbm4b:s25+s3], $0x4000, $0x38;
	[tilespmem:$0x1CC00] =	vst v63  }
0x33: {  	s24 =	sshra.s32 s24, $0x2  }
0x34: {  	[spmem:s2] =	stream.indirect.scatter.add.f32 [tilespmem:s14], [sflag:$0x3], $0x80, s24, s17, $0xb8;
	[tilespmem:$0x1CC00] =	vst v63  }
0x35: {  	_ =	swait.ge [sflag:s13], $0x4000  }
0x36: {  	[sflag:s13] =	ssyncset.done $0x0  }
0x37: {  	[sflag:s13] =	ssyncadd.s32 $0xFFFFC000  }
0x38: {  	_ =	swait.ge [sflag:s18], $0x4000  }
0x39: {  	[sflag:s18] =	ssyncset.done $0x0  }
0x3a: {  	[sflag:s18] =	ssyncadd.s32 $0xFFFFC000  }
0x3b: {  	[tilespmem:s14], [sflag:$0x1] =	stream.linear.gather [hbm4b:s23+s3], $0x4000, $0x38;
	[tilespmem:$0x1CC00] =	vst v63  }
.Ltmp0:
0x3c: {  	_ = 	snop;
	(pc) =	sbr.rel @p0 .LBB2_2-.Ltmp0, $4  }
0x3d: {  	s24 =	sadd.s32 $0x80, s24  }
0x3e: {  	[spmem:s2] =	stream.indirect.scatter.add.f32 [tilespmem:s16], [sflag:$0x3], $0x80, s24, s17, $0xb8;
	[tilespmem:$0x1CC00] =	vst v63  }
0x3f: {  	_ =	swait.ge [sflag:s13], $0x4000  }
0x40: {  	[sflag:s13] =	ssyncset.done $0x0  }
0x41: {  	[sflag:s13] =	ssyncadd.s32 $0xFFFFC000  }
0x42: {  	_ =	swait.ge [sflag:s15], $0x4000  }
0x43: {  	[sflag:s15] =	ssyncset.done $0x0  }
0x44: {  	[sflag:s15] =	ssyncadd.s32 $0xFFFFC000  }
0x45: {  	[tilespmem:s16], [sflag:$0x2] =	stream.linear.gather [hbm4b:s10+s3], $0x4000, $0x38;
	[tilespmem:$0x1CC00] =	vst v63  }
0x46: {  	_ = 	snop  }
0x47: {  	[spmem:s2] =	stream.indirect.scatter.add.f32 [tilespmem:s14], [sflag:$0x3], $0x80, s19, s17, $0xb8;
	[tilespmem:$0x1CC00] =	vst v63  }
0x48: {  	_ =	swait.ge [sflag:s13], $0x4000  }
0x49: {  	[sflag:s13] =	ssyncset.done $0x0  }
0x4a: {  	[sflag:s13] =	ssyncadd.s32 $0xFFFFC000  }
0x4b: {  	_ =	swait.ge [sflag:s18], $0x4000  }
0x4c: {  	[sflag:s18] =	ssyncset.done $0x0  }
0x4d: {  	[sflag:s18] =	ssyncadd.s32 $0xFFFFC000  }
0x4e: {  	[spmem:s2] =	stream.indirect.scatter.add.f32 [tilespmem:s16], [sflag:$0x3], $0x80, s20, s17, $0xb8;
	[tilespmem:$0x1CC00] =	vst v63  }
0x4f: {  	_ =	swait.ge [sflag:s13], $0x4000  }
0x50: {  	s21 =	sadd.s32 $0x1, s21;
	[sflag:s13] =	ssyncset.done $0x0  }
0x51: {  	p0 =	sne.s32 s21, s9;
	[sflag:s13] =	ssyncadd.s32 $0xFFFFC000  }
.Ltmp1:
0x52: {  	[bflag:$0x0] =	sbarrier.arrive $0xFFFF;
	(pc) =	sbr.rel @p0 .LBB2_1-.Ltmp1, $4  }
0x53: {  	[hbm:s8], [sflag:s5] =	dma.local [spmem:s12], $0x2800  }
0x54: {  	_ =	swait.ge [sflag:s13], $0x2800  }
0x55: {  	[sflag:s13] =	ssyncset.done $0x0  }
0x56: {  	[sflag:s13] =	ssyncadd.s32 $0xFFFFD800  }
0x57: {  	_ =	sfence.sel $0x180000  }
0x58: {  	[bflag:$0x0] =	sbarrier.arrive $0xFFFF  }
0x59: {  	p0 =	sne.s32 s0, $0x0;
	_ =	strace $0x9000004D  }
0x5a: {  	s0 =	sadd.s32 @!p0 $0x100000, s1;
	[bflag:$0x2] =	sbarrier.arrive $0xFFFF  }
0x5b: {  	[sflag:s0] =	ssyncadd.tile.s32 @!p0 $0x1;
	_ =	shalt  }
.Lfunc_end2:
_tile_overlayer_lowered:
.L_overlay_start_2:
0x5c: {  	(tag) =	ssettag $0x2  }
0x5d: {  	s0 =	rddreg [dreg:$0x0];
	s2 =	stileid.u32  }
0x5e: {  	s1 =	rddreg [dreg:$0x1];
	p0 =	sne.s32 s2, $0x0  }
0x5f: {  	s3 =	rddreg [dreg:$0x2];
	[bflag:$0x3] =	sbarrier.arrive $0xFFFF;
	s2 =	simm.s32 @!p0 $0x1C03  }
0x60: {  	[timem:s3], [sflag:s2] =	dma.local @!p0 [hbm:s0], s1  }
0x61: {  	s0 =	simm.s32 @!p0 $0x3  }
0x62: {  	_ =	swait.ge @!p0 [sflag:s0], s1  }
0x63: {  	s1 =	ssub.s32 @!p0 $0x0, s1;
	[sflag:s0] =	ssyncset.done @!p0 $0x0  }
0x64: {  	[sflag:s0] =	ssyncadd.s32 @!p0 s1  }
0x65: {  	[bflag:$0x3] =	sbarrier.arrive $0xFFFF  }
0x66: {  	_ =	shalt  }

// kernel: kernel.9.cloned.1.call-start
scs
__scs_entry_jumppad:
0x0: {  	(pc) =	sbr.rel $0x88, $3  }
0x1: {  	(tag) =	ssettag $0x0;
	lr =	simm.s32 $0x1  }
0x2: {  	[smem:$0x3F96] =	sst lr;
	_ =	strace $0xD0000000  }
0x3: {  	_ = 	snop  }
0x4: {  	_ = 	snop  }
0x5: {  	_ = 	snop  }
0x6: {  	_ = 	snop  }
0x7: {  	_ = 	snop  }
__scs_overlays_trampoline_lowered:
0x8: {  	[smem:$0x3FA5] =	sst s0  }
0x9: {  	[smem:$0x3FA6] =	sst s1  }
0xa: {  	[smem:$0x3FA7] =	sst s2  }
0xb: {  	[smem:$0x3FA8] =	sst s3  }
0xc: {  	[smem:$0x3FA9] =	sst s4  }
0xd: {  	[smem:$0x3FAA] =	sst s5  }
0xe: {  	[smem:$0x3FAB] =	sst s6  }
0xf: {  	[smem:$0x3FAC] =	sst s7  }
0x10: {  	[smem:$0x3FAD] =	sst s8  }
0x11: {  	[smem:$0x3FAE] =	sst s9;
	s0 =	simm.s32 @!p0 $0x0  }
0x12: {  	s1 =	sld [smem:$0x3F94];
	s0 =	simm.s32 @p0 $0x1  }
0x13: {  	[smem:$0x3FAF] =	sst s0;
	s0 =	simm.s32 @!p1 $0x0  }
0x14: {  	s2 =	sld [smem:$0x3F93];
	s0 =	simm.s32 @p1 $0x1  }
0x15: {  	[smem:$0x3FB0] =	sst s0;
	s0 =	simm.s32 @!p2 $0x0  }
0x16: {  	s3 =	sld [smem:$0x3FDB];
	s0 =	simm.s32 @p2 $0x1  }
0x17: {  	s4 =	simm.s32 $0x1BF5;
	[smem:$0x3FB2] =	sst s0  }
0x18: {  	s0 =	sld [smem:$0x3F95];
	_ =	swait.ge [sflag:s4], $0x0  }
0x19: {  	s7 =	sld [smem:$0x3F96]  }
0x1a: {  	s8 =	sadd.s32 $0xFFFFE003, lr  }
0x1b: {  	s9 =	sadd.s32 $0xFFFFFEF7, lr;
	s5 =	simm.s32 $0xFFFFFFFF;
	p2 =	slt.u32 s8, $0xFFFFF086  }
0x1c: {  	p1 =	slt.u32 s9, $0xF7A;
	s5 =	simm.s32 @!p2 $0x0  }
0x1d: {  	s5 =	simm.s32 @p1 $0x1;
	p0 =	seq.s32 s7, s2  }
0x1e: {  	s7 =	smul.u32 @!p0 $0xF7A, s2;
	p2 =	seq.s32 @!p0 s5, $0x0  }
0x1f: {  	s9 =	smul.u32 $0xF7A, s1;
	s8 =	simm.s32 @!p0 $0x1BF5;
	p2 =	por !p2, p0  }
0x20: {  	[sflag:s8] =	ssyncset.s32 @!p0 $0xFFFFF086;
	s6 =	sadd.s32 @!p0 s3, s7;
	s7 =	simm.s32 @!p0 $0x108  }
0x21: {  	s3 =	sadd.s32 s3, s9;
	s6 =	sadd.s32 @!p0 $0x88, s6;
	s7 =	simm.s32 @p2 $0x1082  }
0x22: {  	[simem:s7], [sflag:s8] =	dma.local @!p0 [hbm:s6], $0xF7A  }
0x23: {  	s9 =	sor.u32 $0xD0000000, s2;
	s6 =	simm.s32 $0x108;
	_ =	swait.ge @!p0 [sflag:s8], $0x0  }
0x24: {  	s3 =	sadd.s32 $0x88, s3;
	s6 =	simm.s32 @!p1 $0x1082;
	[sflag:s4] =	ssyncset.s32 $0xFFFFF086  }
0x25: {  	[simem:s6], [sflag:s4] =	dma.local [hbm:s3], $0xF7A  }
0x26: {  	[smem:$0x3F96] =	sst s1;
	(tag) =	ssettag s2;
	_ =	strace s9  }
0x27: {  	s1 =	sld [smem:$0x3FA6]  }
0x28: {  	s2 =	sld [smem:$0x3FA7]  }
0x29: {  	s4 =	sld [smem:$0x3FA9]  }
0x2a: {  	p0 =	seq.s32 s5, $0x0;
	s5 =	sld [smem:$0x3FAA]  }
0x2b: {  	s6 =	sld [smem:$0x3FAB]  }
0x2c: {  	s7 =	sld [smem:$0x3FAC]  }
0x2d: {  	s3 =	simm.s32 $0x108;
	s8 =	sld [smem:$0x3FAD]  }
0x2e: {  	s3 =	simm.s32 @!p0 $0x1082;
	s9 =	sld [smem:$0x3FAE]  }
0x2f: {  	lr =	sadd.s32 s0, s3;
	s0 =	sld [smem:$0x3FA5]  }
0x30: {  	s3 =	sld [smem:$0x3FA8]  }
0x31: {  	[smem:$0x3FB1] =	sst s10  }
0x32: {  	s10 =	sld [smem:$0x3FAF];
	_ =	sdelay $0x3  }
0x33: {  	p0 =	seq.s32 s10, $0x1;
	s10 =	sld [smem:$0x3FB1];
	_ =	sdelay $0x3  }
0x34: {  	[smem:$0x3FB1] =	sst s10  }
0x35: {  	s10 =	sld [smem:$0x3FB0];
	_ =	sdelay $0x3  }
0x36: {  	p1 =	seq.s32 s10, $0x1;
	s10 =	sld [smem:$0x3FB1];
	_ =	sdelay $0x3  }
0x37: {  	[smem:$0x3FB1] =	sst s10  }
0x38: {  	s10 =	sld [smem:$0x3FB2]  }
0x39: {  	_ = 	snop;
	(pc) =	sbr.ind lr, $3  }
0x3a: {  	_ = 	snop  }
0x3b: {  	_ = 	snop  }
0x3c: {  	p2 =	seq.s32 s10, $0x1;
	s10 =	sld [smem:$0x3FB1]  }
0x3d: {  	_ =	shalt  }
0x3e: {  	_ =	shalt  }
0x3f: {  	_ =	shalt  }
0x40: {  	_ =	shalt  }
0x41: {  	_ =	shalt  }
0x42: {  	_ =	shalt  }
0x43: {  	_ =	shalt  }
0x44: {  	_ =	shalt  }
0x45: {  	_ =	shalt  }
0x46: {  	_ =	shalt  }
0x47: {  	_ =	shalt  }
0x48: {  	_ =	shalt  }
0x49: {  	_ =	shalt  }
0x4a: {  	_ =	shalt  }
0x4b: {  	_ =	shalt  }
0x4c: {  	_ =	shalt  }
0x4d: {  	_ =	shalt  }
0x4e: {  	_ =	shalt  }
0x4f: {  	_ =	shalt  }
0x50: {  	_ =	shalt  }
0x51: {  	_ =	shalt  }
0x52: {  	_ =	shalt  }
0x53: {  	_ =	shalt  }
0x54: {  	_ =	shalt  }
0x55: {  	_ =	shalt  }
0x56: {  	_ =	shalt  }
0x57: {  	_ =	shalt  }
0x58: {  	_ =	shalt  }
0x59: {  	_ =	shalt  }
0x5a: {  	_ =	shalt  }
0x5b: {  	_ =	shalt  }
0x5c: {  	_ =	shalt  }
0x5d: {  	_ =	shalt  }
0x5e: {  	_ =	shalt  }
0x5f: {  	_ =	shalt  }
0x60: {  	_ =	shalt  }
0x61: {  	_ =	shalt  }
0x62: {  	_ =	shalt  }
0x63: {  	_ =	shalt  }
0x64: {  	_ =	shalt  }
0x65: {  	_ =	shalt  }
0x66: {  	_ =	shalt  }
0x67: {  	_ =	shalt  }
0x68: {  	_ =	shalt  }
0x69: {  	_ =	shalt  }
0x6a: {  	_ =	shalt  }
0x6b: {  	_ =	shalt  }
0x6c: {  	_ =	shalt  }
0x6d: {  	_ =	shalt  }
0x6e: {  	_ =	shalt  }
0x6f: {  	_ =	shalt  }
0x70: {  	_ =	shalt  }
0x71: {  	_ =	shalt  }
0x72: {  	_ =	shalt  }
0x73: {  	_ =	shalt  }
0x74: {  	_ =	shalt  }
0x75: {  	_ =	shalt  }
0x76: {  	_ =	shalt  }
0x77: {  	_ =	shalt  }
0x78: {  	_ =	shalt  }
0x79: {  	_ =	shalt  }
0x7a: {  	_ =	shalt  }
0x7b: {  	_ =	shalt  }
0x7c: {  	_ =	shalt  }
0x7d: {  	_ =	shalt  }
0x7e: {  	_ =	shalt  }
0x7f: {  	_ =	shalt  }
0x80: {  	_ =	shalt  }
0x81: {  	_ =	shalt  }
0x82: {  	_ =	shalt  }
0x83: {  	_ =	shalt  }
0x84: {  	_ =	shalt  }
0x85: {  	_ =	shalt  }
0x86: {  	_ =	shalt  }
0x87: {  	_ =	shalt  }
.Lfunc_end0:
.L_simem_size_0:
called_computation_lowered:
.L_overlay_start_0:
0x88: {  	s2 =	sld [smem:$0x3FD9]  }
0x89: {  	s3 =	sld [smem:$0x3FFE];
	_ =	sdelay $0x1  }
0x8a: {  	s1 =	srdreg.scid  }
0x8b: {  	s0 =	sand.u32 $0x1, s1  }
0x8c: {  	s17 =	sshll.u32 s0, $0xA;
	s2 =	sadd.s32 s3, s2  }
0x8d: {  	s2 =	sadd.s32 s2, s17  }
0x8e: {  	[smem:$0x3FBD] =	sst s2  }
0x8f: {  	_ = 	snop  }
0x90: {  	s18 =	sld [smem:$0x3FC9];
	(tm) =	ssettm $0x1  }
0x91: {  	s19 =	sld [smem:$0x3FFB];
	_ =	sdelay $0x3  }
0x92: {  	_ =	strace s19  }
0x93: {  	s2 =	sld [smem:$0x3FFC];
	_ =	sdelay $0x3  }
0x94: {  	_ =	strace s2  }
0x95: {  	s2 =	sld [smem:$0x3FFD];
	_ =	sdelay $0x3  }
0x96: {  	_ =	strace s2  }
0x97: {  	_ =	strace $0x8FFFFFFF  }
0x98: {  	s20 =	sld [smem:$0x3FDB];
	_ =	sdelay $0x1  }
0x99: {  	s4 =	simm.s32 $_scs_section_size  }
0x9a: {  	s5 =	simm.s32 $_size__tile_overlayer_lowered;
	s6 =	simm.s32 $_tile_overlayer_lowered  }
0x9b: {  	s7 =	simm.s32 $0x1BFF;
	s21 =	sshll.u32 s6, $0x1;
	s4 =	sadd.s32 s4, s20  }
0x9c: {  	s22 =	simm.s32 $0x0;
	s5 =	sshll.u32 s5, $0x1;
	s6 =	sadd.s32 s21, s4  }
0x9d: {  	[timem:s22], [sflag:s7] =	dma.local [hbm:s6], s5  }
0x9e: {  	_ =	swait.ge [sflag:s7], s5  }
0x9f: {  	s5 =	ssub.s32 $0x0, s5;
	[sflag:s7] =	ssyncset.done $0x0  }
0xa0: {  	[sflag:s7] =	ssyncadd.s32 s5;
	_ =	sdelay $0x1  }
0xa1: {  	s23 =	simm.s32 $0x1B8B  }
0xa2: {  	_ =	swait.ge [sflag:s23], $0x1  }
0xa3: {  	[sflag:s23] =	ssyncset.done $0x0  }
0xa4: {  	[sflag:s23] =	ssyncadd.s32 $0xFFFFFFFF  }
0xa5: {  	s5 =	sld [smem:$0x0]  }
0xa6: {  	s6 =	sand.u32 $0xFFFFFFFE, s1  }
0xa7: {  	p0 =	sne.s32 s1, s6  }
0xa8: {  	s6 =	sshll.u32 @p0 s6, $0xE  }
0xa9: {  	s6 =	sadd.s32 @p0 $0x11B8D, s6;
	s7 =	sshll.u32 @p0 s5, $0x11  }
0xaa: {  	s6 =	sor.u32 @p0 s7, s6  }
0xab: {  	[sflag:s6] =	ssyncadd.remote.s32 @p0 $0x1;
	_ =	sdelay $0x1  }
0xac: {  	s6 =	simm.s32 @p0 $0x1B8D  }
0xad: {  	_ =	swait.eq @p0 [sflag:s6], $0x1  }
0xae: {  	[sflag:s6] =	ssyncadd.s32 @p0 $0xFFFFFFFF  }
0xaf: {  	s7 =	sshll.u32 @!p0 s1, $0xE  }
0xb0: {  	s7 =	sor.u32 @!p0 $0x4000, s7;
	s6 =	simm.s32 @!p0 $0x1B8D  }
0xb1: {  	s5 =	sshll.u32 @!p0 s5, $0x11;
	s7 =	sadd.s32 @!p0 $0x11B8D, s7;
	_ =	swait.eq @!p0 [sflag:s6], $0x1  }
0xb2: {  	s5 =	sor.u32 @!p0 s5, s7;
	[sflag:s6] =	ssyncadd.s32 @!p0 $0xFFFFFFFF  }
0xb3: {  	s25 =	simm.s32 $0x1B8E;
	s24 =	sld [smem:$0x3FFE];
	[sflag:s5] =	ssyncadd.remote.s32 @!p0 $0x1  }
0xb4: {  	s26 =	simm.s32 $execute0_lowered;
	[smem:$0x3FD2] =	sst s25  }
0xb5: {  	s6 =	sshll.u32 s26, $0x1;
	_ =	strace $0x80000049;
	[dreg:$0x1] =	wrdreg $0xFFFFFFFF  }
0xb6: {  	s28 =	simm.s32 $_size_execute0_lowered;
	s4 =	sadd.s32 s4, s6;
	[dreg:$0x0] =	wrdreg $0x0  }
0xb7: {  	s6 =	sshll.u32 s28, $0x1;
	[dreg:$0x2] =	wrdreg s4  }
0xb8: {  	[dreg:$0x3] =	wrdreg s6  }
0xb9: {  	[dreg:$0x4] =	wrdreg $0xC0  }
0xba: {  	_ =	task [dreg:s22], $0x5FFFF  }
0xbb: {  	[dreg:$0x1] =	wrdreg $0xFFFFFFFF  }
0xbc: {  	[dreg:$0x0] =	wrdreg $0x60  }
0xbd: {  	[dreg:$0x2] =	wrdreg s18  }
0xbe: {  	[dreg:$0x3] =	wrdreg s24  }
0xbf: {  	[dreg:$0x4] =	wrdreg $0x9  }
0xc0: {  	_ =	task.clear_ibuf [dreg:s22], $0x5FFFF;
	_ =	strace $0x90000049  }
0xc1: {  	s29 =	simm.s32 $0x9;
	_ =	strace $0x8000004B  }
0xc2: {  	_ =	swait.ge [sflag:s29], $0x1  }
0xc3: {  	[sflag:s29] =	ssyncadd.s32 $0xFFFFFFFF  }
0xc4: {  	_ =	strace $0x9000004B  }
0xc5: {  	_ =	sfence  }
0xc6: {  	s30 =	sld [smem:$0x0];
	_ =	sdelay $0x2  }
0xc7: {  	s31 =	sshll.u32 s1, $0xD;
	s1 =	sshrl.u32 s1, $0x2  }
0xc8: {  	s4 =	sand.u32 $0x4000, s31;
	s1 =	sadd.s32 s1, s30  }
0xc9: {  	s0 =	sor.u32 s4, s0;
	s1 =	sshll.u32 s1, $0x11  }
0xca: {  	s0 =	sor.u32 s1, s0  }
0xcb: {  	s0 =	sadd.s32 $0x8F2B, s0  }
0xcc: {  	[sflag:s0] =	ssyncadd.remote.s32 $0x1  }
0xcd: {  	_ =	sfence.sel $0xFFFF  }
0xce: {  	[dreg:$0x0] =	wrdreg $0xFFFFFFFF;
	(pc) =	sbr.abs _section_cstart, $3  }
0xcf: {  	[dreg:$0x1] =	wrdreg $0xFFFFFFFF  }
0xd0: {  	_ =	task.clear_ibuf [dreg:s22], $0x2FFFF;
	_ =	strace $0x9FFFFFFF  }
0xd1: {  	(tm) =	ssettm $0x7FFFFFFF  }
tec
execute0_lowered:
.L_overlay_start_1:
0x0: {  	(tag) =	ssettag $0x1  }
0x1: {  	s1 =	srdreg.scid  }
0x2: {  	s0 =	stileid.u32;
	s2 =	rddreg [dreg:$0x0]  }
0x3: {  	s4 =	rddreg [dreg:$0x1];
	s3 =	simm.s32 $0x0;
	s16 =	simm.s32 $0x1  }
0x4: {  	s17 =	simm.s32 $0x5400;
	s18 =	simm.s32 $0x2;
	s19 =	simm.s32 $0x3  }
0x5: {  	s20 =	simm.s32 $0x100;
	s21 =	simm.s32 $0x4;
	s12 =	smul.u32 $0x138800, s0  }
0x6: {  	s22 =	simm.s32 $0x8;
	s10 =	sand.u32 $0x1, s1;
	s14 =	smul.u32 $0x27100, s0  }
0x7: {  	s23 =	simm.s32 $0x1380;
	s26 =	sshll.u32 s0, $0x1;
	s13 =	smul.u32 $0x9C400, s10  }
0x8: {  	s24 =	simm.s32 $0x0;
	s5 =	sor.u32 s10, s26;
	s15 =	smul.u32 $0x13880, s10  }
0x9: {  	s1 =	rddreg [dreg:$0x2];
	s8 =	ssub.s32 $0x2, s10;
	s6 =	smul.u32 $0x1388, s5  }
0xa: {  	[smem:$0x7FF] =	sst s3;
	s7 =	smul.u32 $0x9C400, s5;
	s28 =	sshrl.u32 s8, $0x1  }
0xb: {  	_ =	strace $0x8000004A;
	s11 =	smul.u32 $0x13880, s5;
	s9 =	ssub.s32 s8, s28  }
0xc: {  	s30 =	sadd.s32 s13, s12;
	s13 =	simm.s32 $0x5;
	s6 =	sshrl.u32 s6, $0x3  }
0xd: {  	s7 =	sshrl.u32 s7, $0x3;
	s6 =	sadd.s32 s6, s4;
	s4 =	sadd.s32 $0x27C600, s4  }
0xe: {  	s9 =	smax.u32 s9, $0x1;
	s5 =	sadd.s32 s4, s7;
	s6 =	sadd.s32 $0x6600, s6  }
0xf: {  	s29 =	sadd.s32 s4, s11;
	s31 =	sadd.s32 s14, s4;
	s11 =	sadd.s32 $0x8000, s30  }
0x10: {  	s14 =	simm.s32 $0x80;
	s7 =	sadd.s32 $0x13000, s5;
	s8 =	sadd.s32 $0x13800, s5  }
0x11: {  	s10 =	sadd.s32 $0x800, s29;
	s12 =	sadd.s32 s15, s31;
	s15 =	simm.s32 $0x1400  }
.LBB2_1:
0x12: {  	[tilespmem:s3], [sflag:$0x5] =	stream.linear.gather [hbm4b:s6+s3], $0x1388, $0x38;
	[tilespmem:$0x9400] =	vst v63  }
0x13: {  	_ =	swait.ge [sflag:s13], $0x1388  }
0x14: {  	[sflag:s13] =	ssyncset.done $0x0  }
0x15: {  	[sflag:s13] =	ssyncadd.s32 $0xFFFFEC78  }
0x16: {  	[tilespmem:s15], [sflag:$0x1] =	stream.indirect.gather [hbm4b:s2+s14], $0x80, s3, s14, $0xb8;
	[tilespmem:$0x9400] =	vst v63  }
0x17: {  	_ =	swait.ge [sflag:s16], $0x4000  }
0x18: {  	[sflag:s16] =	ssyncset.done $0x0  }
0x19: {  	[sflag:s16] =	ssyncadd.s32 $0xFFFFC000  }
0x1a: {  	[hbm4b:s5+s3] =	stream.linear.scatter [tilespmem:s15], [sflag:$0x3], $0x4000, $0x38;
	[tilespmem:$0x9400] =	vst v63  }
0x1b: {  	_ = 	snop  }
0x1c: {  	[tilespmem:s17], [sflag:$0x2] =	stream.indirect.gather [hbm4b:s2+s14], $0x80, s14, s14, $0xb8;
	[tilespmem:$0x9400] =	vst v63  }
0x1d: {  	_ =	swait.ge [sflag:s18], $0x4000  }
0x1e: {  	[sflag:s18] =	ssyncset.done $0x0  }
0x1f: {  	[sflag:s18] =	ssyncadd.s32 $0xFFFFC000  }
0x20: {  	[hbm4b:s10+s3] =	stream.linear.scatter [tilespmem:s17], [sflag:$0x4], $0x4000, $0x38;
	[tilespmem:$0x9400] =	vst v63  }
0x21: {  	_ =	swait.ge [sflag:s19], $0x4000  }
0x22: {  	[sflag:s19] =	ssyncset.done $0x0  }
0x23: {  	[sflag:s19] =	ssyncadd.s32 $0xFFFFC000  }
0x24: {  	[tilespmem:s15], [sflag:$0x1] =	stream.indirect.gather [hbm4b:s2+s14], $0x80, s20, s14, $0xb8;
	[tilespmem:$0x9400] =	vst v63  }
0x25: {  	_ =	swait.ge [sflag:s16], $0x4000  }
0x26: {  	s25 =	sshrl.u32 s11, $0x3;
	[sflag:s16] =	ssyncset.done $0x0  }
0x27: {  	s25 =	sadd.s32 s4, s25;
	[sflag:s16] =	ssyncadd.s32 $0xFFFFC000  }
0x28: {  	[hbm4b:s25+s3] =	stream.linear.scatter [tilespmem:s15], [sflag:$0x3], $0x4000, $0x38;
	[tilespmem:$0x9400] =	vst v63  }
0x29: {  	_ =	swait.ge [sflag:s21], $0x4000  }
0x2a: {  	[sflag:s21] =	ssyncset.done $0x0  }
0x2b: {  	s30 =	simm.s32 $0x180;
	[sflag:s21] =	ssyncadd.s32 $0xFFFFC000  }
0x2c: {  	[tilespmem:s17], [sflag:$0x2] =	stream.indirect.gather [hbm4b:s2+s14], $0x80, s30, s14, $0xb8;
	[tilespmem:$0x9400] =	vst v63  }
0x2d: {  	_ =	swait.ge [sflag:s18], $0x4000  }
0x2e: {  	[sflag:s18] =	ssyncset.done $0x0  }
0x2f: {  	s31 =	sadd.s32 $0x1800, s12;
	[sflag:s18] =	ssyncadd.s32 $0xFFFFC000  }
0x30: {  	[hbm4b:s31+s3] =	stream.linear.scatter [tilespmem:s17], [sflag:$0x4], $0x4000, $0x38;
	[tilespmem:$0x9400] =	vst v63  }
0x31: {  	_ =	swait.ge [sflag:s19], $0x4000  }
0x32: {  	s26 =	simm.s32 $0x2800;
	s28 =	sadd.s32 $0x8000, s11;
	[sflag:s19] =	ssyncset.done $0x0  }
0x33: {  	s29 =	simm.s32 $0x300;
	s25 =	simm.s32 $0x200;
	[sflag:s19] =	ssyncadd.s32 $0xFFFFC000  }
.LBB2_2:
0x34: {  	[tilespmem:s15], [sflag:$0x1] =	stream.indirect.gather [hbm4b:s2+s14], $0x80, s25, s14, $0xb8;
	[tilespmem:$0x9400] =	vst v63  }
0x35: {  	s30 =	smov.u32 s26;
	s25 =	smov.u32 s29  }
0x36: {  	p0 =	sne.s32 s26, $0x12800;
	s26 =	sadd.s32 $0x1000, s26;
	_ =	swait.ge [sflag:s16], $0x4000  }
0x37: {  	s31 =	sshrl.u32 s28, $0x3;
	[sflag:s16] =	ssyncset.done $0x0  }
0x38: {  	s31 =	sadd.s32 s4, s31;
	[sflag:s16] =	ssyncadd.s32 $0xFFFFC000  }
0x39: {  	[hbm4b:s31+s3] =	stream.linear.scatter [tilespmem:s15], [sflag:$0x3], $0x4000, $0x38;
	[tilespmem:$0x9400] =	vst v63  }
0x3a: {  	_ =	swait.ge [sflag:s21], $0x4000  }
0x3b: {  	[sflag:s21] =	ssyncset.done $0x0  }
0x3c: {  	s31 =	sadd.s32 $0xFFFFFF80, s29;
	[sflag:s21] =	ssyncadd.s32 $0xFFFFC000  }
0x3d: {  	[tilespmem:s17], [sflag:$0x2] =	stream.indirect.gather [hbm4b:s2+s14], $0x80, s31, s14, $0xb8;
	[tilespmem:$0x9400] =	vst v63  }
0x3e: {  	_ =	swait.ge [sflag:s18], $0x4000  }
0x3f: {  	[sflag:s18] =	ssyncset.done $0x0  }
.Ltmp0:
0x40: {  	s30 =	sadd.s32 s30, s12;
	[sflag:s18] =	ssyncadd.s32 $0xFFFFC000;
	(pc) =	sbr.rel @p0 .LBB2_2-.Ltmp0, $4  }
0x41: {  	[hbm4b:s30+s3] =	stream.linear.scatter [tilespmem:s17], [sflag:$0x4], $0x4000, $0x38;
	[tilespmem:$0x9400] =	vst v63  }
0x42: {  	_ =	swait.ge [sflag:s19], $0x4000  }
0x43: {  	[sflag:s19] =	ssyncset.done $0x0  }
0x44: {  	s28 =	sadd.s32 $0x8000, s28;
	s29 =	sadd.s32 $0x100, s29;
	[sflag:s19] =	ssyncadd.s32 $0xFFFFC000  }
0x45: {  	[tilespmem:s15], [sflag:$0x1] =	stream.indirect.gather [hbm4b:s2+s14], $0x80, s25, s14, $0xb8;
	[tilespmem:$0x9400] =	vst v63  }
0x46: {  	_ =	swait.ge [sflag:s16], $0x4000  }
0x47: {  	[sflag:s16] =	ssyncset.done $0x0  }
0x48: {  	[sflag:s16] =	ssyncadd.s32 $0xFFFFC000  }
0x49: {  	[hbm4b:s7+s3] =	stream.linear.scatter [tilespmem:s15], [sflag:$0x3], $0x4000, $0x38;
	[tilespmem:$0x9400] =	vst v63  }
0x4a: {  	_ =	swait.ge [sflag:s21], $0x4000  }
0x4b: {  	[sflag:s21] =	ssyncset.done $0x0  }
0x4c: {  	[sflag:s21] =	ssyncadd.s32 $0xFFFFC000  }
0x4d: {  	[tilespmem:s17], [sflag:$0x2] =	stream.indirect.gather [hbm4b:s2+s22], $0x80, s23, s22, $0xb8;
	[tilespmem:$0x9400] =	vst v63  }
0x4e: {  	_ =	swait.ge [sflag:s18], $0x400  }
0x4f: {  	[sflag:s18] =	ssyncset.done $0x0  }
0x50: {  	s24 =	sadd.s32 $0x1, s24;
	[sflag:s18] =	ssyncadd.s32 $0xFFFFFC00  }
0x51: {  	[hbm4b:s8+s3] =	stream.linear.scatter [tilespmem:s17], [sflag:$0x4], $0x400, $0x38;
	[tilespmem:$0x9400] =	vst v63  }
0x52: {  	p0 =	sne.s32 s24, s9;
	_ =	swait.ge [sflag:s19], $0x4000  }
.Ltmp1:
0x53: {  	[sflag:s19] =	ssyncset.done $0x0;
	(pc) =	sbr.rel @p0 .LBB2_1-.Ltmp1, $4  }
0x54: {  	[sflag:s19] =	ssyncadd.s32 $0xFFFFC000  }
0x55: {  	_ =	swait.ge [sflag:s21], $0x400  }
0x56: {  	[sflag:s21] =	ssyncset.done $0x0  }
0x57: {  	[sflag:s21] =	ssyncadd.s32 $0xFFFFFC00  }
0x58: {  	_ =	sfence.sel $0x180000  }
0x59: {  	[bflag:$0x0] =	sbarrier.arrive $0xFFFF  }
0x5a: {  	p0 =	sne.s32 s0, $0x0;
	_ =	strace $0x9000004A  }
0x5b: {  	s0 =	sadd.s32 @!p0 $0x100000, s1;
	[bflag:$0x2] =	sbarrier.arrive $0xFFFF  }
0x5c: {  	[sflag:s0] =	ssyncadd.tile.s32 @!p0 $0x1;
	_ =	shalt  }
.Lfunc_end2:
_tile_overlayer_lowered:
.L_overlay_start_2:
0x5d: {  	(tag) =	ssettag $0x2  }
0x5e: {  	s0 =	rddreg [dreg:$0x0];
	s2 =	stileid.u32  }
0x5f: {  	s1 =	rddreg [dreg:$0x1];
	p0 =	sne.s32 s2, $0x0  }
0x60: {  	s3 =	rddreg [dreg:$0x2];
	[bflag:$0x3] =	sbarrier.arrive $0xFFFF;
	s2 =	simm.s32 @!p0 $0x1C05  }
0x61: {  	[timem:s3], [sflag:s2] =	dma.local @!p0 [hbm:s0], s1  }
0x62: {  	s0 =	simm.s32 @!p0 $0x5  }
0x63: {  	_ =	swait.ge @!p0 [sflag:s0], s1  }
0x64: {  	s1 =	ssub.s32 @!p0 $0x0, s1;
	[sflag:s0] =	ssyncset.done @!p0 $0x0  }
0x65: {  	[sflag:s0] =	ssyncadd.s32 @!p0 s1  }
0x66: {  	[bflag:$0x3] =	sbarrier.arrive $0xFFFF  }
0x67: {  	_ =	shalt  }

</sc_bundles>
